<compile_context>
chip_gen: v7x
topology: tpu7x:2x2x1
jax: 0.10.2.dev20260603
libtpu: 0.0.44.dev20260713+nightly
codegen_flags: <defaults>
</compile_context>

<pallas_src>
import functools

import jax
import jax.numpy as jnp
from jax import lax
from jax.experimental import pallas as pl
from jax.experimental.pallas import tpu as pltpu
from jax.experimental.pallas import tpu_sc as plsc

BATCH = 4
SEQ = 2048
D_MODEL = 768

NUM_CORES = 2
NUM_SUBCORES = 16
NUM_WORKERS = NUM_CORES * NUM_SUBCORES
B_PER_W = BATCH * SEQ // NUM_WORKERS
W_PER_BATCH = SEQ // B_PER_W
CHUNK = 64
N_CHUNKS = B_PER_W // CHUNK

_mesh = plsc.VectorSubcoreMesh(core_axis_name="c", subcore_axis_name="s")


@functools.partial(
    pl.kernel,
    mesh=_mesh,
    out_type=jax.ShapeDtypeStruct((BATCH, SEQ, D_MODEL), jnp.float32),
    scratch_types=[
        pltpu.VMEM((B_PER_W,), jnp.int32),
        pltpu.VMEM((2, CHUNK, D_MODEL), jnp.float32),
        pltpu.SemaphoreType.DMA,
        pltpu.SemaphoreType.DMA,
        pltpu.SemaphoreType.DMA,
    ],
)
def _emb_lookup(idx_hbm, table_hbm, out_hbm, idx_v, rows_v, gsem, wsem, isem):
    wid = lax.axis_index("s") * NUM_CORES + lax.axis_index("c")
    b = wid // W_PER_BATCH
    off = (wid % W_PER_BATCH) * B_PER_W
    half = B_PER_W // 2
    pltpu.sync_copy(idx_hbm.at[b, pl.ds(off, half)], idx_v.at[pl.ds(0, half)])
    rest = pltpu.async_copy(
        idx_hbm.at[b, pl.ds(off + half, half)],
        idx_v.at[pl.ds(half, half)],
        isem,
    )
    gathers = [None] * N_CHUNKS
    writes = [None] * N_CHUNKS
    for c in range(N_CHUNKS):
        if c == N_CHUNKS // 2:
            rest.wait()
        if c >= 2:
            writes[c - 2].wait()
        gathers[c] = pltpu.async_copy(
            table_hbm.at[idx_v.at[pl.ds(c * CHUNK, CHUNK)]],
            rows_v.at[c % 2],
            gsem,
        )
        if c >= 1:
            p = c - 1
            gathers[p].wait()
            writes[p] = pltpu.async_copy(
                rows_v.at[p % 2],
                out_hbm.at[b, pl.ds(off + p * CHUNK, CHUNK)],
                wsem,
            )
    last = N_CHUNKS - 1
    gathers[last].wait()
    writes[last] = pltpu.async_copy(
        rows_v.at[last % 2],
        out_hbm.at[b, pl.ds(off + last * CHUNK, CHUNK)],
        wsem,
    )
    writes[last - 1].wait()
    writes[last].wait()


def kernel(input_ids, emb_table):
    return _emb_lookup(input_ids.astype(jnp.int32), emb_table)

# --- scband reference (transcript-rebuilt; emitter-appended) ---
"""Pipeline reference for scband-embedding-text-42691974922560 (READ-ONLY COPY).

The authoritative reference and input builder live on the scoring server;
editing this copy changes nothing except your own understanding.
"""

import jax, jax.numpy as jnp
import numpy as np

VOCAB = 21178
D_MODEL = 768
BATCH = 4
SEQ = 2048


def setup_inputs(seed: int = 0) -> dict:
    key = jax.random.key(seed)
    k_idx, k_tab = jax.random.split(key)
    input_ids = jax.random.randint(k_idx, (BATCH, SEQ), 0, VOCAB, dtype=jnp.int64 if jax.config.jax_enable_x64 else jnp.int32)
    emb_table = jax.random.normal(k_tab, (VOCAB, D_MODEL), dtype=jnp.float32) * 0.02
    return {"input_ids": input_ids, "emb_table": emb_table}


def reference(input_ids, emb_table):
    # Faithful to nn.Embedding / chat.pretrain_models['gpt'].emb_text(input_ids):
    # a pure row-gather from the embedding table.
    return jnp.take(emb_table, input_ids, axis=0)

if __name__ == "__main__":
    import jax
    _d = setup_inputs()
    print(jax.jit(kernel)(*tuple(_d.values())))

</pallas_src>

<mosaic_0001>
#map = affine_map<(d0, d1) -> (0, 0)>
#map1 = affine_map<(d0, d1) -> (0, 0, 0)>
module attributes {stable_mosaic.version = 14 : i64} {
  func.func @_emb_lookup(%arg0: i32, %arg1: i32, %arg2: memref<4x2048xi32, #tpu.memory_space<hbm>>, %arg3: memref<21178x768xf32, #tpu.memory_space<hbm>>, %arg4: memref<4x2048x768xf32, #tpu.memory_space<hbm>>, %arg5: memref<256xi32, #tpu.memory_space<vmem>>, %arg6: memref<2x64x768xf32, #tpu.memory_space<vmem>>, %arg7: memref<!tpu.dma_semaphore, #tpu.memory_space<semaphore_mem>>, %arg8: memref<!tpu.dma_semaphore, #tpu.memory_space<semaphore_mem>>, %arg9: memref<!tpu.dma_semaphore, #tpu.memory_space<semaphore_mem>>) attributes {dimension_semantics = [#tpu.dimension_semantics<core_parallel>, #tpu.dimension_semantics<subcore_parallel>], iteration_bounds = array<i64: 2, 16>, scalar_prefetch = 0 : i64, scratch_operands = 5 : i64, tpu.core_type = #tpu.core_type<sc_vector_subcore>, window_params = [{transform_indices = #map}, {transform_indices = #map}, {transform_indices = #map1}]} {
    %mul3A = arith.constant 2 : i32
    %mul3A_0 = arith.muli %arg1, %mul3A : i32
    %add3A = arith.addi %mul3A_0, %arg0 : i32
    %jit3A = arith.constant 8 : i32
    %div3A = arith.divsi %add3A, %jit3A : i32
    %sign3A = arith.constant 0 : i32
    %sign3A_1 = arith.cmpi sgt, %add3A, %sign3A : i32
    %sign3A_2 = arith.extui %sign3A_1 : i1 to i32
    %sign3A_3 = arith.constant 0 : i32
    %sign3A_4 = arith.cmpi slt, %add3A, %sign3A_3 : i32
    %sign3A_5 = arith.extui %sign3A_4 : i1 to i32
    %sign3A_6 = arith.subi %sign3A_2, %sign3A_5 : i32
    %sign3A_7 = arith.constant 0 : i32
    %sign3A_8 = arith.cmpi sgt, %jit3A, %sign3A_7 : i32
    %sign3A_9 = arith.extui %sign3A_8 : i1 to i32
    %sign3A_10 = arith.constant 0 : i32
    %sign3A_11 = arith.cmpi slt, %jit3A, %sign3A_10 : i32
    %sign3A_12 = arith.extui %sign3A_11 : i1 to i32
    %sign3A_13 = arith.subi %sign3A_9, %sign3A_12 : i32
    %ne3A = arith.cmpi ne, %sign3A_6, %sign3A_13 : i32
    %rem3A = arith.remsi %add3A, %jit3A : i32
    %ne3A_14 = arith.constant 0 : i32
    %ne3A_15 = arith.cmpi ne, %rem3A, %ne3A_14 : i32
    %and3A = arith.andi %ne3A, %ne3A_15 : i1
    %sub3A = arith.constant 1 : i32
    %sub3A_16 = arith.subi %div3A, %sub3A : i32
    %select_n3A = arith.select %and3A, %sub3A_16, %div3A : i32
    %jit3A_17 = arith.constant 8 : i32
    %eq3A = arith.constant 0 : i32
    %eq3A_18 = arith.cmpi eq, %jit3A_17, %eq3A : i32
    %jit3A_19 = arith.constant 1 : i32
    %select_n3A_20 = arith.select %eq3A_18, %jit3A_19, %jit3A_17 : i32
    %rem3A_21 = arith.remsi %add3A, %select_n3A_20 : i32
    %ne3A_22 = arith.constant 0 : i32
    %ne3A_23 = arith.cmpi ne, %rem3A_21, %ne3A_22 : i32
    %lt3A = arith.constant 0 : i32
    %lt3A_24 = arith.cmpi slt, %rem3A_21, %lt3A : i32
    %lt3A_25 = arith.constant 0 : i32
    %lt3A_26 = arith.cmpi slt, %select_n3A_20, %lt3A_25 : i32
    %ne3A_27 = arith.xori %lt3A_24, %lt3A_26 : i1
    %and3A_28 = arith.andi %ne3A_27, %ne3A_23 : i1
    %add3A_29 = arith.addi %rem3A_21, %select_n3A_20 : i32
    %select_n3A_30 = arith.select %and3A_28, %add3A_29, %rem3A_21 : i32
    %mul3A_31 = arith.constant 256 : i32
    %mul3A_32 = arith.muli %select_n3A_30, %mul3A_31 : i32
    "tpu.region"() ({
      %run_scoped3A = tpu.sem_alloc : memref<!tpu.dma_semaphore, #tpu.memory_space<semaphore_mem>>
      %dma_start3A_257 = arith.constant 0 : i32
      %dma_start3A_258 = tpu.memref_slice %arg5[%dma_start3A_257] : memref<256xi32, #tpu.memory_space<vmem>> -> memref<128xi32, #tpu.memory_space<vmem>>
      %dma_start3A_259 = tpu.memref_slice %arg2[%select_n3A, %mul3A_32] : memref<4x2048xi32, #tpu.memory_space<hbm>> -> memref<1x128xi32, #tpu.memory_space<hbm>>
      %dma_start3A_260 = tpu.memref_squeeze %dma_start3A_259 : memref<1x128xi32, #tpu.memory_space<hbm>> -> memref<128xi32, #tpu.memory_space<hbm>>
      %dma_start3A_261 = arith.constant 0 : i32
      %dma_start3A_262 = tpu.memref_slice %arg5[%dma_start3A_261] : memref<256xi32, #tpu.memory_space<vmem>> -> memref<128xi32, #tpu.memory_space<vmem>>
      %dma_start3A_263 = tpu.memref_slice %arg2[%select_n3A, %mul3A_32] : memref<4x2048xi32, #tpu.memory_space<hbm>> -> memref<1x128xi32, #tpu.memory_space<hbm>>
      %dma_start3A_264 = tpu.memref_squeeze %dma_start3A_263 : memref<1x128xi32, #tpu.memory_space<hbm>> -> memref<128xi32, #tpu.memory_space<hbm>>
      tpu.enqueue_dma source(%dma_start3A_264 : memref<128xi32, #tpu.memory_space<hbm>>) target(%dma_start3A_262 : memref<128xi32, #tpu.memory_space<vmem>>) target_semaphore(%run_scoped3A : memref<!tpu.dma_semaphore, #tpu.memory_space<semaphore_mem>>)
      %dma_wait3A_265 = arith.constant 0 : i32
      %dma_wait3A_266 = tpu.memref_slice %arg5[%dma_wait3A_265] : memref<256xi32, #tpu.memory_space<vmem>> -> memref<128xi32, #tpu.memory_space<vmem>>
      %dma_wait3A_267 = tpu.memref_slice %arg2[%select_n3A, %mul3A_32] : memref<4x2048xi32, #tpu.memory_space<hbm>> -> memref<1x128xi32, #tpu.memory_space<hbm>>
      %dma_wait3A_268 = tpu.memref_squeeze %dma_wait3A_267 : memref<1x128xi32, #tpu.memory_space<hbm>> -> memref<128xi32, #tpu.memory_space<hbm>>
      %dma_wait3A_269 = arith.constant 0 : i32
      %dma_wait3A_270 = tpu.memref_slice %arg5[%dma_wait3A_269] : memref<256xi32, #tpu.memory_space<vmem>> -> memref<128xi32, #tpu.memory_space<vmem>>
      %dma_wait3A_271 = tpu.memref_slice %arg2[%select_n3A, %mul3A_32] : memref<4x2048xi32, #tpu.memory_space<hbm>> -> memref<1x128xi32, #tpu.memory_space<hbm>>
      %dma_wait3A_272 = tpu.memref_squeeze %dma_wait3A_271 : memref<1x128xi32, #tpu.memory_space<hbm>> -> memref<128xi32, #tpu.memory_space<hbm>>
      tpu.wait_dma2 semaphore(%run_scoped3A : memref<!tpu.dma_semaphore, #tpu.memory_space<semaphore_mem>>) src(%dma_wait3A_272 : memref<128xi32, #tpu.memory_space<hbm>>) dst(%dma_wait3A_270 : memref<128xi32, #tpu.memory_space<vmem>>)
      tpu.yield
    }) : () -> ()
    %add3A_33 = arith.constant 128 : i32
    %add3A_34 = arith.addi %mul3A_32, %add3A_33 : i32
    %dma_start3A = arith.constant 128 : i32
    %dma_start3A_35 = tpu.memref_slice %arg5[%dma_start3A] : memref<256xi32, #tpu.memory_space<vmem>> -> memref<128xi32, #tpu.memory_space<vmem>>
    %dma_start3A_36 = tpu.memref_slice %arg2[%select_n3A, %add3A_34] : memref<4x2048xi32, #tpu.memory_space<hbm>> -> memref<1x128xi32, #tpu.memory_space<hbm>>
    %dma_start3A_37 = tpu.memref_squeeze %dma_start3A_36 : memref<1x128xi32, #tpu.memory_space<hbm>> -> memref<128xi32, #tpu.memory_space<hbm>>
    %dma_start3A_38 = arith.constant 128 : i32
    %dma_start3A_39 = tpu.memref_slice %arg5[%dma_start3A_38] : memref<256xi32, #tpu.memory_space<vmem>> -> memref<128xi32, #tpu.memory_space<vmem>>
    %dma_start3A_40 = tpu.memref_slice %arg2[%select_n3A, %add3A_34] : memref<4x2048xi32, #tpu.memory_space<hbm>> -> memref<1x128xi32, #tpu.memory_space<hbm>>
    %dma_start3A_41 = tpu.memref_squeeze %dma_start3A_40 : memref<1x128xi32, #tpu.memory_space<hbm>> -> memref<128xi32, #tpu.memory_space<hbm>>
    tpu.enqueue_dma source(%dma_start3A_41 : memref<128xi32, #tpu.memory_space<hbm>>) target(%dma_start3A_39 : memref<128xi32, #tpu.memory_space<vmem>>) target_semaphore(%arg9 : memref<!tpu.dma_semaphore, #tpu.memory_space<semaphore_mem>>)
    %dma_start3A_42 = arith.constant 0 : i32
    %dma_start3A_43 = arith.constant 0 : i32
    %dma_start3A_44 = arith.constant 0 : i32
    %dma_start3A_45 = tpu.memref_slice %arg6[%dma_start3A_42, %dma_start3A_43, %dma_start3A_44] : memref<2x64x768xf32, #tpu.memory_space<vmem>> -> memref<1x64x768xf32, #tpu.memory_space<vmem>>
    %dma_start3A_46 = tpu.memref_squeeze %dma_start3A_45 : memref<1x64x768xf32, #tpu.memory_space<vmem>> -> memref<64x768xf32, #tpu.memory_space<vmem>>
    %dma_start3A_47 = arith.constant 0 : i32
    %dma_start3A_48 = tpu.memref_slice %arg5[%dma_start3A_47] : memref<256xi32, #tpu.memory_space<vmem>> -> memref<64xi32, #tpu.memory_space<vmem>>
    %dma_start3A_49 = arith.constant 0 : i32
    %dma_start3A_50 = arith.constant 0 : i32
    %dma_start3A_51 = tpu.memref_slice %arg3[%dma_start3A_49, %dma_start3A_50] : memref<21178x768xf32, #tpu.memory_space<hbm>> -> memref<21178x768xf32, #tpu.memory_space<hbm>>
    tpu.enqueue_indirect_dma source(%dma_start3A_51 : memref<21178x768xf32, #tpu.memory_space<hbm>>) target(%dma_start3A_46 : memref<64x768xf32, #tpu.memory_space<vmem>>) offsets(%dma_start3A_48 : memref<64xi32, #tpu.memory_space<vmem>>) semaphore(%arg7 : memref<!tpu.dma_semaphore, #tpu.memory_space<semaphore_mem>>)
    %dma_start3A_52 = arith.constant 1 : i32
    %dma_start3A_53 = arith.constant 0 : i32
    %dma_start3A_54 = arith.constant 0 : i32
    %dma_start3A_55 = tpu.memref_slice %arg6[%dma_start3A_52, %dma_start3A_53, %dma_start3A_54] : memref<2x64x768xf32, #tpu.memory_space<vmem>> -> memref<1x64x768xf32, #tpu.memory_space<vmem>>
    %dma_start3A_56 = tpu.memref_squeeze %dma_start3A_55 : memref<1x64x768xf32, #tpu.memory_space<vmem>> -> memref<64x768xf32, #tpu.memory_space<vmem>>
    %dma_start3A_57 = arith.constant 64 : i32
    %dma_start3A_58 = tpu.memref_slice %arg5[%dma_start3A_57] : memref<256xi32, #tpu.memory_space<vmem>> -> memref<64xi32, #tpu.memory_space<vmem>>
    %dma_start3A_59 = arith.constant 0 : i32
    %dma_start3A_60 = arith.constant 0 : i32
    %dma_start3A_61 = tpu.memref_slice %arg3[%dma_start3A_59, %dma_start3A_60] : memref<21178x768xf32, #tpu.memory_space<hbm>> -> memref<21178x768xf32, #tpu.memory_space<hbm>>
    tpu.enqueue_indirect_dma source(%dma_start3A_61 : memref<21178x768xf32, #tpu.memory_space<hbm>>) target(%dma_start3A_56 : memref<64x768xf32, #tpu.memory_space<vmem>>) offsets(%dma_start3A_58 : memref<64xi32, #tpu.memory_space<vmem>>) semaphore(%arg7 : memref<!tpu.dma_semaphore, #tpu.memory_space<semaphore_mem>>)
    %dma_wait3A = arith.constant 0 : i32
    %dma_wait3A_62 = arith.constant 0 : i32
    %dma_wait3A_63 = arith.constant 0 : i32
    %dma_wait3A_64 = tpu.memref_slice %arg6[%dma_wait3A, %dma_wait3A_62, %dma_wait3A_63] : memref<2x64x768xf32, #tpu.memory_space<vmem>> -> memref<1x64x768xf32, #tpu.memory_space<vmem>>
    %dma_wait3A_65 = tpu.memref_squeeze %dma_wait3A_64 : memref<1x64x768xf32, #tpu.memory_space<vmem>> -> memref<64x768xf32, #tpu.memory_space<vmem>>
    %dma_wait3A_66 = arith.constant 0 : i32
    %dma_wait3A_67 = tpu.memref_slice %arg5[%dma_wait3A_66] : memref<256xi32, #tpu.memory_space<vmem>> -> memref<64xi32, #tpu.memory_space<vmem>>
    %dma_wait3A_68 = arith.constant 0 : i32
    %dma_wait3A_69 = arith.constant 0 : i32
    %dma_wait3A_70 = tpu.memref_slice %arg3[%dma_wait3A_68, %dma_wait3A_69] : memref<21178x768xf32, #tpu.memory_space<hbm>> -> memref<21178x768xf32, #tpu.memory_space<hbm>>
    tpu.wait_indirect_dma semaphore(%arg7 : memref<!tpu.dma_semaphore, #tpu.memory_space<semaphore_mem>>) src(%dma_wait3A_70 : memref<21178x768xf32, #tpu.memory_space<hbm>>) dst(%dma_wait3A_65 : memref<64x768xf32, #tpu.memory_space<vmem>>)
    %add3A_71 = arith.constant 0 : i32
    %add3A_72 = arith.addi %mul3A_32, %add3A_71 : i32
    %dma_start3A_73 = arith.constant 0 : i32
    %dma_start3A_74 = arith.constant 0 : i32
    %dma_start3A_75 = arith.constant 0 : i32
    %dma_start3A_76 = tpu.memref_slice %arg6[%dma_start3A_73, %dma_start3A_74, %dma_start3A_75] : memref<2x64x768xf32, #tpu.memory_space<vmem>> -> memref<1x64x768xf32, #tpu.memory_space<vmem>>
    %dma_start3A_77 = tpu.memref_squeeze %dma_start3A_76 : memref<1x64x768xf32, #tpu.memory_space<vmem>> -> memref<64x768xf32, #tpu.memory_space<vmem>>
    %dma_start3A_78 = arith.constant 0 : i32
    %dma_start3A_79 = tpu.memref_slice %arg4[%select_n3A, %add3A_72, %dma_start3A_78] : memref<4x2048x768xf32, #tpu.memory_space<hbm>> -> memref<1x64x768xf32, #tpu.memory_space<hbm>>
    %dma_start3A_80 = tpu.memref_squeeze %dma_start3A_79 : memref<1x64x768xf32, #tpu.memory_space<hbm>> -> memref<64x768xf32, #tpu.memory_space<hbm>>
    %dma_start3A_81 = arith.constant 0 : i32
    %dma_start3A_82 = tpu.memref_slice %arg4[%select_n3A, %add3A_72, %dma_start3A_81] : memref<4x2048x768xf32, #tpu.memory_space<hbm>> -> memref<1x64x768xf32, #tpu.memory_space<hbm>>
    %dma_start3A_83 = tpu.memref_squeeze %dma_start3A_82 : memref<1x64x768xf32, #tpu.memory_space<hbm>> -> memref<64x768xf32, #tpu.memory_space<hbm>>
    %dma_start3A_84 = arith.constant 0 : i32
    %dma_start3A_85 = arith.constant 0 : i32
    %dma_start3A_86 = tpu.memref_slice %arg6[%dma_start3A_73, %dma_start3A_84, %dma_start3A_85] : memref<2x64x768xf32, #tpu.memory_space<vmem>> -> memref<1x64x768xf32, #tpu.memory_space<vmem>>
    %dma_start3A_87 = tpu.memref_squeeze %dma_start3A_86 : memref<1x64x768xf32, #tpu.memory_space<vmem>> -> memref<64x768xf32, #tpu.memory_space<vmem>>
    tpu.enqueue_dma source(%dma_start3A_87 : memref<64x768xf32, #tpu.memory_space<vmem>>) target(%dma_start3A_83 : memref<64x768xf32, #tpu.memory_space<hbm>>) target_semaphore(%arg8 : memref<!tpu.dma_semaphore, #tpu.memory_space<semaphore_mem>>)
    %dma_wait3A_88 = arith.constant 128 : i32
    %dma_wait3A_89 = tpu.memref_slice %arg5[%dma_wait3A_88] : memref<256xi32, #tpu.memory_space<vmem>> -> memref<128xi32, #tpu.memory_space<vmem>>
    %dma_wait3A_90 = tpu.memref_slice %arg2[%select_n3A, %add3A_34] : memref<4x2048xi32, #tpu.memory_space<hbm>> -> memref<1x128xi32, #tpu.memory_space<hbm>>
    %dma_wait3A_91 = tpu.memref_squeeze %dma_wait3A_90 : memref<1x128xi32, #tpu.memory_space<hbm>> -> memref<128xi32, #tpu.memory_space<hbm>>
    %dma_wait3A_92 = arith.constant 128 : i32
    %dma_wait3A_93 = tpu.memref_slice %arg5[%dma_wait3A_92] : memref<256xi32, #tpu.memory_space<vmem>> -> memref<128xi32, #tpu.memory_space<vmem>>
    %dma_wait3A_94 = tpu.memref_slice %arg2[%select_n3A, %add3A_34] : memref<4x2048xi32, #tpu.memory_space<hbm>> -> memref<1x128xi32, #tpu.memory_space<hbm>>
    %dma_wait3A_95 = tpu.memref_squeeze %dma_wait3A_94 : memref<1x128xi32, #tpu.memory_space<hbm>> -> memref<128xi32, #tpu.memory_space<hbm>>
    tpu.wait_dma2 semaphore(%arg9 : memref<!tpu.dma_semaphore, #tpu.memory_space<semaphore_mem>>) src(%dma_wait3A_95 : memref<128xi32, #tpu.memory_space<hbm>>) dst(%dma_wait3A_93 : memref<128xi32, #tpu.memory_space<vmem>>)
    %dma_wait3A_96 = arith.constant 0 : i32
    %dma_wait3A_97 = arith.constant 0 : i32
    %dma_wait3A_98 = arith.constant 0 : i32
    %dma_wait3A_99 = tpu.memref_slice %arg6[%dma_wait3A_96, %dma_wait3A_97, %dma_wait3A_98] : memref<2x64x768xf32, #tpu.memory_space<vmem>> -> memref<1x64x768xf32, #tpu.memory_space<vmem>>
    %dma_wait3A_100 = tpu.memref_squeeze %dma_wait3A_99 : memref<1x64x768xf32, #tpu.memory_space<vmem>> -> memref<64x768xf32, #tpu.memory_space<vmem>>
    %dma_wait3A_101 = arith.constant 0 : i32
    %dma_wait3A_102 = tpu.memref_slice %arg4[%select_n3A, %add3A_72, %dma_wait3A_101] : memref<4x2048x768xf32, #tpu.memory_space<hbm>> -> memref<1x64x768xf32, #tpu.memory_space<hbm>>
    %dma_wait3A_103 = tpu.memref_squeeze %dma_wait3A_102 : memref<1x64x768xf32, #tpu.memory_space<hbm>> -> memref<64x768xf32, #tpu.memory_space<hbm>>
    %dma_wait3A_104 = arith.constant 0 : i32
    %dma_wait3A_105 = tpu.memref_slice %arg4[%select_n3A, %add3A_72, %dma_wait3A_104] : memref<4x2048x768xf32, #tpu.memory_space<hbm>> -> memref<1x64x768xf32, #tpu.memory_space<hbm>>
    %dma_wait3A_106 = tpu.memref_squeeze %dma_wait3A_105 : memref<1x64x768xf32, #tpu.memory_space<hbm>> -> memref<64x768xf32, #tpu.memory_space<hbm>>
    %dma_wait3A_107 = arith.constant 0 : i32
    %dma_wait3A_108 = arith.constant 0 : i32
    %dma_wait3A_109 = tpu.memref_slice %arg6[%dma_wait3A_96, %dma_wait3A_107, %dma_wait3A_108] : memref<2x64x768xf32, #tpu.memory_space<vmem>> -> memref<1x64x768xf32, #tpu.memory_space<vmem>>
    %dma_wait3A_110 = tpu.memref_squeeze %dma_wait3A_109 : memref<1x64x768xf32, #tpu.memory_space<vmem>> -> memref<64x768xf32, #tpu.memory_space<vmem>>
    tpu.wait_dma2 semaphore(%arg8 : memref<!tpu.dma_semaphore, #tpu.memory_space<semaphore_mem>>) src(%dma_wait3A_110 : memref<64x768xf32, #tpu.memory_space<vmem>>) dst(%dma_wait3A_106 : memref<64x768xf32, #tpu.memory_space<hbm>>)
    %dma_start3A_111 = arith.constant 0 : i32
    %dma_start3A_112 = arith.constant 0 : i32
    %dma_start3A_113 = arith.constant 0 : i32
    %dma_start3A_114 = tpu.memref_slice %arg6[%dma_start3A_111, %dma_start3A_112, %dma_start3A_113] : memref<2x64x768xf32, #tpu.memory_space<vmem>> -> memref<1x64x768xf32, #tpu.memory_space<vmem>>
    %dma_start3A_115 = tpu.memref_squeeze %dma_start3A_114 : memref<1x64x768xf32, #tpu.memory_space<vmem>> -> memref<64x768xf32, #tpu.memory_space<vmem>>
    %dma_start3A_116 = arith.constant 128 : i32
    %dma_start3A_117 = tpu.memref_slice %arg5[%dma_start3A_116] : memref<256xi32, #tpu.memory_space<vmem>> -> memref<64xi32, #tpu.memory_space<vmem>>
    %dma_start3A_118 = arith.constant 0 : i32
    %dma_start3A_119 = arith.constant 0 : i32
    %dma_start3A_120 = tpu.memref_slice %arg3[%dma_start3A_118, %dma_start3A_119] : memref<21178x768xf32, #tpu.memory_space<hbm>> -> memref<21178x768xf32, #tpu.memory_space<hbm>>
    tpu.enqueue_indirect_dma source(%dma_start3A_120 : memref<21178x768xf32, #tpu.memory_space<hbm>>) target(%dma_start3A_115 : memref<64x768xf32, #tpu.memory_space<vmem>>) offsets(%dma_start3A_117 : memref<64xi32, #tpu.memory_space<vmem>>) semaphore(%arg7 : memref<!tpu.dma_semaphore, #tpu.memory_space<semaphore_mem>>)
    %dma_wait3A_121 = arith.constant 1 : i32
    %dma_wait3A_122 = arith.constant 0 : i32
    %dma_wait3A_123 = arith.constant 0 : i32
    %dma_wait3A_124 = tpu.memref_slice %arg6[%dma_wait3A_121, %dma_wait3A_122, %dma_wait3A_123] : memref<2x64x768xf32, #tpu.memory_space<vmem>> -> memref<1x64x768xf32, #tpu.memory_space<vmem>>
    %dma_wait3A_125 = tpu.memref_squeeze %dma_wait3A_124 : memref<1x64x768xf32, #tpu.memory_space<vmem>> -> memref<64x768xf32, #tpu.memory_space<vmem>>
    %dma_wait3A_126 = arith.constant 64 : i32
    %dma_wait3A_127 = tpu.memref_slice %arg5[%dma_wait3A_126] : memref<256xi32, #tpu.memory_space<vmem>> -> memref<64xi32, #tpu.memory_space<vmem>>
    %dma_wait3A_128 = arith.constant 0 : i32
    %dma_wait3A_129 = arith.constant 0 : i32
    %dma_wait3A_130 = tpu.memref_slice %arg3[%dma_wait3A_128, %dma_wait3A_129] : memref<21178x768xf32, #tpu.memory_space<hbm>> -> memref<21178x768xf32, #tpu.memory_space<hbm>>
    tpu.wait_indirect_dma semaphore(%arg7 : memref<!tpu.dma_semaphore, #tpu.memory_space<semaphore_mem>>) src(%dma_wait3A_130 : memref<21178x768xf32, #tpu.memory_space<hbm>>) dst(%dma_wait3A_125 : memref<64x768xf32, #tpu.memory_space<vmem>>)
    %add3A_131 = arith.constant 64 : i32
    %add3A_132 = arith.addi %mul3A_32, %add3A_131 : i32
    %dma_start3A_133 = arith.constant 1 : i32
    %dma_start3A_134 = arith.constant 0 : i32
    %dma_start3A_135 = arith.constant 0 : i32
    %dma_start3A_136 = tpu.memref_slice %arg6[%dma_start3A_133, %dma_start3A_134, %dma_start3A_135] : memref<2x64x768xf32, #tpu.memory_space<vmem>> -> memref<1x64x768xf32, #tpu.memory_space<vmem>>
    %dma_start3A_137 = tpu.memref_squeeze %dma_start3A_136 : memref<1x64x768xf32, #tpu.memory_space<vmem>> -> memref<64x768xf32, #tpu.memory_space<vmem>>
    %dma_start3A_138 = arith.constant 0 : i32
    %dma_start3A_139 = tpu.memref_slice %arg4[%select_n3A, %add3A_132, %dma_start3A_138] : memref<4x2048x768xf32, #tpu.memory_space<hbm>> -> memref<1x64x768xf32, #tpu.memory_space<hbm>>
    %dma_start3A_140 = tpu.memref_squeeze %dma_start3A_139 : memref<1x64x768xf32, #tpu.memory_space<hbm>> -> memref<64x768xf32, #tpu.memory_space<hbm>>
    %dma_start3A_141 = arith.constant 0 : i32
    %dma_start3A_142 = tpu.memref_slice %arg4[%select_n3A, %add3A_132, %dma_start3A_141] : memref<4x2048x768xf32, #tpu.memory_space<hbm>> -> memref<1x64x768xf32, #tpu.memory_space<hbm>>
    %dma_start3A_143 = tpu.memref_squeeze %dma_start3A_142 : memref<1x64x768xf32, #tpu.memory_space<hbm>> -> memref<64x768xf32, #tpu.memory_space<hbm>>
    %dma_start3A_144 = arith.constant 0 : i32
    %dma_start3A_145 = arith.constant 0 : i32
    %dma_start3A_146 = tpu.memref_slice %arg6[%dma_start3A_133, %dma_start3A_144, %dma_start3A_145] : memref<2x64x768xf32, #tpu.memory_space<vmem>> -> memref<1x64x768xf32, #tpu.memory_space<vmem>>
    %dma_start3A_147 = tpu.memref_squeeze %dma_start3A_146 : memref<1x64x768xf32, #tpu.memory_space<vmem>> -> memref<64x768xf32, #tpu.memory_space<vmem>>
    tpu.enqueue_dma source(%dma_start3A_147 : memref<64x768xf32, #tpu.memory_space<vmem>>) target(%dma_start3A_143 : memref<64x768xf32, #tpu.memory_space<hbm>>) target_semaphore(%arg8 : memref<!tpu.dma_semaphore, #tpu.memory_space<semaphore_mem>>)
    %dma_wait3A_148 = arith.constant 1 : i32
    %dma_wait3A_149 = arith.constant 0 : i32
    %dma_wait3A_150 = arith.constant 0 : i32
    %dma_wait3A_151 = tpu.memref_slice %arg6[%dma_wait3A_148, %dma_wait3A_149, %dma_wait3A_150] : memref<2x64x768xf32, #tpu.memory_space<vmem>> -> memref<1x64x768xf32, #tpu.memory_space<vmem>>
    %dma_wait3A_152 = tpu.memref_squeeze %dma_wait3A_151 : memref<1x64x768xf32, #tpu.memory_space<vmem>> -> memref<64x768xf32, #tpu.memory_space<vmem>>
    %dma_wait3A_153 = arith.constant 0 : i32
    %dma_wait3A_154 = tpu.memref_slice %arg4[%select_n3A, %add3A_132, %dma_wait3A_153] : memref<4x2048x768xf32, #tpu.memory_space<hbm>> -> memref<1x64x768xf32, #tpu.memory_space<hbm>>
    %dma_wait3A_155 = tpu.memref_squeeze %dma_wait3A_154 : memref<1x64x768xf32, #tpu.memory_space<hbm>> -> memref<64x768xf32, #tpu.memory_space<hbm>>
    %dma_wait3A_156 = arith.constant 0 : i32
    %dma_wait3A_157 = tpu.memref_slice %arg4[%select_n3A, %add3A_132, %dma_wait3A_156] : memref<4x2048x768xf32, #tpu.memory_space<hbm>> -> memref<1x64x768xf32, #tpu.memory_space<hbm>>
    %dma_wait3A_158 = tpu.memref_squeeze %dma_wait3A_157 : memref<1x64x768xf32, #tpu.memory_space<hbm>> -> memref<64x768xf32, #tpu.memory_space<hbm>>
    %dma_wait3A_159 = arith.constant 0 : i32
    %dma_wait3A_160 = arith.constant 0 : i32
    %dma_wait3A_161 = tpu.memref_slice %arg6[%dma_wait3A_148, %dma_wait3A_159, %dma_wait3A_160] : memref<2x64x768xf32, #tpu.memory_space<vmem>> -> memref<1x64x768xf32, #tpu.memory_space<vmem>>
    %dma_wait3A_162 = tpu.memref_squeeze %dma_wait3A_161 : memref<1x64x768xf32, #tpu.memory_space<vmem>> -> memref<64x768xf32, #tpu.memory_space<vmem>>
    tpu.wait_dma2 semaphore(%arg8 : memref<!tpu.dma_semaphore, #tpu.memory_space<semaphore_mem>>) src(%dma_wait3A_162 : memref<64x768xf32, #tpu.memory_space<vmem>>) dst(%dma_wait3A_158 : memref<64x768xf32, #tpu.memory_space<hbm>>)
    %dma_start3A_163 = arith.constant 1 : i32
    %dma_start3A_164 = arith.constant 0 : i32
    %dma_start3A_165 = arith.constant 0 : i32
    %dma_start3A_166 = tpu.memref_slice %arg6[%dma_start3A_163, %dma_start3A_164, %dma_start3A_165] : memref<2x64x768xf32, #tpu.memory_space<vmem>> -> memref<1x64x768xf32, #tpu.memory_space<vmem>>
    %dma_start3A_167 = tpu.memref_squeeze %dma_start3A_166 : memref<1x64x768xf32, #tpu.memory_space<vmem>> -> memref<64x768xf32, #tpu.memory_space<vmem>>
    %dma_start3A_168 = arith.constant 192 : i32
    %dma_start3A_169 = tpu.memref_slice %arg5[%dma_start3A_168] : memref<256xi32, #tpu.memory_space<vmem>> -> memref<64xi32, #tpu.memory_space<vmem>>
    %dma_start3A_170 = arith.constant 0 : i32
    %dma_start3A_171 = arith.constant 0 : i32
    %dma_start3A_172 = tpu.memref_slice %arg3[%dma_start3A_170, %dma_start3A_171] : memref<21178x768xf32, #tpu.memory_space<hbm>> -> memref<21178x768xf32, #tpu.memory_space<hbm>>
    tpu.enqueue_indirect_dma source(%dma_start3A_172 : memref<21178x768xf32, #tpu.memory_space<hbm>>) target(%dma_start3A_167 : memref<64x768xf32, #tpu.memory_space<vmem>>) offsets(%dma_start3A_169 : memref<64xi32, #tpu.memory_space<vmem>>) semaphore(%arg7 : memref<!tpu.dma_semaphore, #tpu.memory_space<semaphore_mem>>)
    %dma_wait3A_173 = arith.constant 0 : i32
    %dma_wait3A_174 = arith.constant 0 : i32
    %dma_wait3A_175 = arith.constant 0 : i32
    %dma_wait3A_176 = tpu.memref_slice %arg6[%dma_wait3A_173, %dma_wait3A_174, %dma_wait3A_175] : memref<2x64x768xf32, #tpu.memory_space<vmem>> -> memref<1x64x768xf32, #tpu.memory_space<vmem>>
    %dma_wait3A_177 = tpu.memref_squeeze %dma_wait3A_176 : memref<1x64x768xf32, #tpu.memory_space<vmem>> -> memref<64x768xf32, #tpu.memory_space<vmem>>
    %dma_wait3A_178 = arith.constant 128 : i32
    %dma_wait3A_179 = tpu.memref_slice %arg5[%dma_wait3A_178] : memref<256xi32, #tpu.memory_space<vmem>> -> memref<64xi32, #tpu.memory_space<vmem>>
    %dma_wait3A_180 = arith.constant 0 : i32
    %dma_wait3A_181 = arith.constant 0 : i32
    %dma_wait3A_182 = tpu.memref_slice %arg3[%dma_wait3A_180, %dma_wait3A_181] : memref<21178x768xf32, #tpu.memory_space<hbm>> -> memref<21178x768xf32, #tpu.memory_space<hbm>>
    tpu.wait_indirect_dma semaphore(%arg7 : memref<!tpu.dma_semaphore, #tpu.memory_space<semaphore_mem>>) src(%dma_wait3A_182 : memref<21178x768xf32, #tpu.memory_space<hbm>>) dst(%dma_wait3A_177 : memref<64x768xf32, #tpu.memory_space<vmem>>)
    %add3A_183 = arith.constant 128 : i32
    %add3A_184 = arith.addi %mul3A_32, %add3A_183 : i32
    %dma_start3A_185 = arith.constant 0 : i32
    %dma_start3A_186 = arith.constant 0 : i32
    %dma_start3A_187 = arith.constant 0 : i32
    %dma_start3A_188 = tpu.memref_slice %arg6[%dma_start3A_185, %dma_start3A_186, %dma_start3A_187] : memref<2x64x768xf32, #tpu.memory_space<vmem>> -> memref<1x64x768xf32, #tpu.memory_space<vmem>>
    %dma_start3A_189 = tpu.memref_squeeze %dma_start3A_188 : memref<1x64x768xf32, #tpu.memory_space<vmem>> -> memref<64x768xf32, #tpu.memory_space<vmem>>
    %dma_start3A_190 = arith.constant 0 : i32
    %dma_start3A_191 = tpu.memref_slice %arg4[%select_n3A, %add3A_184, %dma_start3A_190] : memref<4x2048x768xf32, #tpu.memory_space<hbm>> -> memref<1x64x768xf32, #tpu.memory_space<hbm>>
    %dma_start3A_192 = tpu.memref_squeeze %dma_start3A_191 : memref<1x64x768xf32, #tpu.memory_space<hbm>> -> memref<64x768xf32, #tpu.memory_space<hbm>>
    %dma_start3A_193 = arith.constant 0 : i32
    %dma_start3A_194 = tpu.memref_slice %arg4[%select_n3A, %add3A_184, %dma_start3A_193] : memref<4x2048x768xf32, #tpu.memory_space<hbm>> -> memref<1x64x768xf32, #tpu.memory_space<hbm>>
    %dma_start3A_195 = tpu.memref_squeeze %dma_start3A_194 : memref<1x64x768xf32, #tpu.memory_space<hbm>> -> memref<64x768xf32, #tpu.memory_space<hbm>>
    %dma_start3A_196 = arith.constant 0 : i32
    %dma_start3A_197 = arith.constant 0 : i32
    %dma_start3A_198 = tpu.memref_slice %arg6[%dma_start3A_185, %dma_start3A_196, %dma_start3A_197] : memref<2x64x768xf32, #tpu.memory_space<vmem>> -> memref<1x64x768xf32, #tpu.memory_space<vmem>>
    %dma_start3A_199 = tpu.memref_squeeze %dma_start3A_198 : memref<1x64x768xf32, #tpu.memory_space<vmem>> -> memref<64x768xf32, #tpu.memory_space<vmem>>
    tpu.enqueue_dma source(%dma_start3A_199 : memref<64x768xf32, #tpu.memory_space<vmem>>) target(%dma_start3A_195 : memref<64x768xf32, #tpu.memory_space<hbm>>) target_semaphore(%arg8 : memref<!tpu.dma_semaphore, #tpu.memory_space<semaphore_mem>>)
    %dma_wait3A_200 = arith.constant 1 : i32
    %dma_wait3A_201 = arith.constant 0 : i32
    %dma_wait3A_202 = arith.constant 0 : i32
    %dma_wait3A_203 = tpu.memref_slice %arg6[%dma_wait3A_200, %dma_wait3A_201, %dma_wait3A_202] : memref<2x64x768xf32, #tpu.memory_space<vmem>> -> memref<1x64x768xf32, #tpu.memory_space<vmem>>
    %dma_wait3A_204 = tpu.memref_squeeze %dma_wait3A_203 : memref<1x64x768xf32, #tpu.memory_space<vmem>> -> memref<64x768xf32, #tpu.memory_space<vmem>>
    %dma_wait3A_205 = arith.constant 192 : i32
    %dma_wait3A_206 = tpu.memref_slice %arg5[%dma_wait3A_205] : memref<256xi32, #tpu.memory_space<vmem>> -> memref<64xi32, #tpu.memory_space<vmem>>
    %dma_wait3A_207 = arith.constant 0 : i32
    %dma_wait3A_208 = arith.constant 0 : i32
    %dma_wait3A_209 = tpu.memref_slice %arg3[%dma_wait3A_207, %dma_wait3A_208] : memref<21178x768xf32, #tpu.memory_space<hbm>> -> memref<21178x768xf32, #tpu.memory_space<hbm>>
    tpu.wait_indirect_dma semaphore(%arg7 : memref<!tpu.dma_semaphore, #tpu.memory_space<semaphore_mem>>) src(%dma_wait3A_209 : memref<21178x768xf32, #tpu.memory_space<hbm>>) dst(%dma_wait3A_204 : memref<64x768xf32, #tpu.memory_space<vmem>>)
    %add3A_210 = arith.constant 192 : i32
    %add3A_211 = arith.addi %mul3A_32, %add3A_210 : i32
    %dma_start3A_212 = arith.constant 1 : i32
    %dma_start3A_213 = arith.constant 0 : i32
    %dma_start3A_214 = arith.constant 0 : i32
    %dma_start3A_215 = tpu.memref_slice %arg6[%dma_start3A_212, %dma_start3A_213, %dma_start3A_214] : memref<2x64x768xf32, #tpu.memory_space<vmem>> -> memref<1x64x768xf32, #tpu.memory_space<vmem>>
    %dma_start3A_216 = tpu.memref_squeeze %dma_start3A_215 : memref<1x64x768xf32, #tpu.memory_space<vmem>> -> memref<64x768xf32, #tpu.memory_space<vmem>>
    %dma_start3A_217 = arith.constant 0 : i32
    %dma_start3A_218 = tpu.memref_slice %arg4[%select_n3A, %add3A_211, %dma_start3A_217] : memref<4x2048x768xf32, #tpu.memory_space<hbm>> -> memref<1x64x768xf32, #tpu.memory_space<hbm>>
    %dma_start3A_219 = tpu.memref_squeeze %dma_start3A_218 : memref<1x64x768xf32, #tpu.memory_space<hbm>> -> memref<64x768xf32, #tpu.memory_space<hbm>>
    %dma_start3A_220 = arith.constant 0 : i32
    %dma_start3A_221 = tpu.memref_slice %arg4[%select_n3A, %add3A_211, %dma_start3A_220] : memref<4x2048x768xf32, #tpu.memory_space<hbm>> -> memref<1x64x768xf32, #tpu.memory_space<hbm>>
    %dma_start3A_222 = tpu.memref_squeeze %dma_start3A_221 : memref<1x64x768xf32, #tpu.memory_space<hbm>> -> memref<64x768xf32, #tpu.memory_space<hbm>>
    %dma_start3A_223 = arith.constant 0 : i32
    %dma_start3A_224 = arith.constant 0 : i32
    %dma_start3A_225 = tpu.memref_slice %arg6[%dma_start3A_212, %dma_start3A_223, %dma_start3A_224] : memref<2x64x768xf32, #tpu.memory_space<vmem>> -> memref<1x64x768xf32, #tpu.memory_space<vmem>>
    %dma_start3A_226 = tpu.memref_squeeze %dma_start3A_225 : memref<1x64x768xf32, #tpu.memory_space<vmem>> -> memref<64x768xf32, #tpu.memory_space<vmem>>
    tpu.enqueue_dma source(%dma_start3A_226 : memref<64x768xf32, #tpu.memory_space<vmem>>) target(%dma_start3A_222 : memref<64x768xf32, #tpu.memory_space<hbm>>) target_semaphore(%arg8 : memref<!tpu.dma_semaphore, #tpu.memory_space<semaphore_mem>>)
    %dma_wait3A_227 = arith.constant 0 : i32
    %dma_wait3A_228 = arith.constant 0 : i32
    %dma_wait3A_229 = arith.constant 0 : i32
    %dma_wait3A_230 = tpu.memref_slice %arg6[%dma_wait3A_227, %dma_wait3A_228, %dma_wait3A_229] : memref<2x64x768xf32, #tpu.memory_space<vmem>> -> memref<1x64x768xf32, #tpu.memory_space<vmem>>
    %dma_wait3A_231 = tpu.memref_squeeze %dma_wait3A_230 : memref<1x64x768xf32, #tpu.memory_space<vmem>> -> memref<64x768xf32, #tpu.memory_space<vmem>>
    %dma_wait3A_232 = arith.constant 0 : i32
    %dma_wait3A_233 = tpu.memref_slice %arg4[%select_n3A, %add3A_184, %dma_wait3A_232] : memref<4x2048x768xf32, #tpu.memory_space<hbm>> -> memref<1x64x768xf32, #tpu.memory_space<hbm>>
    %dma_wait3A_234 = tpu.memref_squeeze %dma_wait3A_233 : memref<1x64x768xf32, #tpu.memory_space<hbm>> -> memref<64x768xf32, #tpu.memory_space<hbm>>
    %dma_wait3A_235 = arith.constant 0 : i32
    %dma_wait3A_236 = tpu.memref_slice %arg4[%select_n3A, %add3A_184, %dma_wait3A_235] : memref<4x2048x768xf32, #tpu.memory_space<hbm>> -> memref<1x64x768xf32, #tpu.memory_space<hbm>>
    %dma_wait3A_237 = tpu.memref_squeeze %dma_wait3A_236 : memref<1x64x768xf32, #tpu.memory_space<hbm>> -> memref<64x768xf32, #tpu.memory_space<hbm>>
    %dma_wait3A_238 = arith.constant 0 : i32
    %dma_wait3A_239 = arith.constant 0 : i32
    %dma_wait3A_240 = tpu.memref_slice %arg6[%dma_wait3A_227, %dma_wait3A_238, %dma_wait3A_239] : memref<2x64x768xf32, #tpu.memory_space<vmem>> -> memref<1x64x768xf32, #tpu.memory_space<vmem>>
    %dma_wait3A_241 = tpu.memref_squeeze %dma_wait3A_240 : memref<1x64x768xf32, #tpu.memory_space<vmem>> -> memref<64x768xf32, #tpu.memory_space<vmem>>
    tpu.wait_dma2 semaphore(%arg8 : memref<!tpu.dma_semaphore, #tpu.memory_space<semaphore_mem>>) src(%dma_wait3A_241 : memref<64x768xf32, #tpu.memory_space<vmem>>) dst(%dma_wait3A_237 : memref<64x768xf32, #tpu.memory_space<hbm>>)
    %dma_wait3A_242 = arith.constant 1 : i32
    %dma_wait3A_243 = arith.constant 0 : i32
    %dma_wait3A_244 = arith.constant 0 : i32
    %dma_wait3A_245 = tpu.memref_slice %arg6[%dma_wait3A_242, %dma_wait3A_243, %dma_wait3A_244] : memref<2x64x768xf32, #tpu.memory_space<vmem>> -> memref<1x64x768xf32, #tpu.memory_space<vmem>>
    %dma_wait3A_246 = tpu.memref_squeeze %dma_wait3A_245 : memref<1x64x768xf32, #tpu.memory_space<vmem>> -> memref<64x768xf32, #tpu.memory_space<vmem>>
    %dma_wait3A_247 = arith.constant 0 : i32
    %dma_wait3A_248 = tpu.memref_slice %arg4[%select_n3A, %add3A_211, %dma_wait3A_247] : memref<4x2048x768xf32, #tpu.memory_space<hbm>> -> memref<1x64x768xf32, #tpu.memory_space<hbm>>
    %dma_wait3A_249 = tpu.memref_squeeze %dma_wait3A_248 : memref<1x64x768xf32, #tpu.memory_space<hbm>> -> memref<64x768xf32, #tpu.memory_space<hbm>>
    %dma_wait3A_250 = arith.constant 0 : i32
    %dma_wait3A_251 = tpu.memref_slice %arg4[%select_n3A, %add3A_211, %dma_wait3A_250] : memref<4x2048x768xf32, #tpu.memory_space<hbm>> -> memref<1x64x768xf32, #tpu.memory_space<hbm>>
    %dma_wait3A_252 = tpu.memref_squeeze %dma_wait3A_251 : memref<1x64x768xf32, #tpu.memory_space<hbm>> -> memref<64x768xf32, #tpu.memory_space<hbm>>
    %dma_wait3A_253 = arith.constant 0 : i32
    %dma_wait3A_254 = arith.constant 0 : i32
    %dma_wait3A_255 = tpu.memref_slice %arg6[%dma_wait3A_242, %dma_wait3A_253, %dma_wait3A_254] : memref<2x64x768xf32, #tpu.memory_space<vmem>> -> memref<1x64x768xf32, #tpu.memory_space<vmem>>
    %dma_wait3A_256 = tpu.memref_squeeze %dma_wait3A_255 : memref<1x64x768xf32, #tpu.memory_space<vmem>> -> memref<64x768xf32, #tpu.memory_space<vmem>>
    tpu.wait_dma2 semaphore(%arg8 : memref<!tpu.dma_semaphore, #tpu.memory_space<semaphore_mem>>) src(%dma_wait3A_256 : memref<64x768xf32, #tpu.memory_space<vmem>>) dst(%dma_wait3A_252 : memref<64x768xf32, #tpu.memory_space<hbm>>)
    return
  }
}

</mosaic_0001>

<sc_bundles>
// kernel: kernel.3.cloned.1.call-start
scs
__scs_entry_jumppad:
0x0: {  	(pc) =	sbr.rel $0x88, $3  }
0x1: {  	(tag) =	ssettag $0x0;
	lr =	simm.s32 $0x1  }
0x2: {  	[smem:$0x3F9F] =	sst lr;
	_ =	strace $0xD0000000  }
0x3: {  	_ = 	snop  }
0x4: {  	_ = 	snop  }
0x5: {  	_ = 	snop  }
0x6: {  	_ = 	snop  }
0x7: {  	_ = 	snop  }
__scs_overlays_trampoline_lowered:
0x8: {  	[smem:$0x3FAE] =	sst s0  }
0x9: {  	[smem:$0x3FAF] =	sst s1  }
0xa: {  	[smem:$0x3FB0] =	sst s2  }
0xb: {  	[smem:$0x3FB1] =	sst s3  }
0xc: {  	[smem:$0x3FB2] =	sst s4  }
0xd: {  	[smem:$0x3FB3] =	sst s5  }
0xe: {  	[smem:$0x3FB4] =	sst s6  }
0xf: {  	[smem:$0x3FB5] =	sst s7  }
0x10: {  	[smem:$0x3FB6] =	sst s8  }
0x11: {  	[smem:$0x3FB7] =	sst s9;
	s0 =	simm.s32 @!p0 $0x0  }
0x12: {  	s1 =	sld [smem:$0x3F9D];
	s0 =	simm.s32 @p0 $0x1  }
0x13: {  	[smem:$0x3FB8] =	sst s0;
	s0 =	simm.s32 @!p1 $0x0  }
0x14: {  	s2 =	sld [smem:$0x3F9C];
	s0 =	simm.s32 @p1 $0x1  }
0x15: {  	[smem:$0x3FB9] =	sst s0;
	s0 =	simm.s32 @!p2 $0x0  }
0x16: {  	s3 =	sld [smem:$0x3FDB];
	s0 =	simm.s32 @p2 $0x1  }
0x17: {  	s4 =	simm.s32 $0x1BF5;
	[smem:$0x3FBB] =	sst s0  }
0x18: {  	s0 =	sld [smem:$0x3F9E];
	_ =	swait.ge [sflag:s4], $0x0  }
0x19: {  	s7 =	sld [smem:$0x3F9F]  }
0x1a: {  	s8 =	sadd.s32 $0xFFFFE003, lr  }
0x1b: {  	s9 =	sadd.s32 $0xFFFFFEF7, lr;
	s5 =	simm.s32 $0xFFFFFFFF;
	p2 =	slt.u32 s8, $0xFFFFF086  }
0x1c: {  	p1 =	slt.u32 s9, $0xF7A;
	s5 =	simm.s32 @!p2 $0x0  }
0x1d: {  	s5 =	simm.s32 @p1 $0x1;
	p0 =	seq.s32 s7, s2  }
0x1e: {  	s7 =	smul.u32 @!p0 $0xF7A, s2;
	p2 =	seq.s32 @!p0 s5, $0x0  }
0x1f: {  	s9 =	smul.u32 $0xF7A, s1;
	s8 =	simm.s32 @!p0 $0x1BF5;
	p2 =	por !p2, p0  }
0x20: {  	[sflag:s8] =	ssyncset.s32 @!p0 $0xFFFFF086;
	s6 =	sadd.s32 @!p0 s3, s7;
	s7 =	simm.s32 @!p0 $0x108  }
0x21: {  	s3 =	sadd.s32 s3, s9;
	s6 =	sadd.s32 @!p0 $0x88, s6;
	s7 =	simm.s32 @p2 $0x1082  }
0x22: {  	[simem:s7], [sflag:s8] =	dma.local @!p0 [hbm:s6], $0xF7A  }
0x23: {  	s9 =	sor.u32 $0xD0000000, s2;
	s6 =	simm.s32 $0x108;
	_ =	swait.ge @!p0 [sflag:s8], $0x0  }
0x24: {  	s3 =	sadd.s32 $0x88, s3;
	s6 =	simm.s32 @!p1 $0x1082;
	[sflag:s4] =	ssyncset.s32 $0xFFFFF086  }
0x25: {  	[simem:s6], [sflag:s4] =	dma.local [hbm:s3], $0xF7A  }
0x26: {  	[smem:$0x3F9F] =	sst s1;
	(tag) =	ssettag s2;
	_ =	strace s9  }
0x27: {  	s1 =	sld [smem:$0x3FAF]  }
0x28: {  	s2 =	sld [smem:$0x3FB0]  }
0x29: {  	s4 =	sld [smem:$0x3FB2]  }
0x2a: {  	p0 =	seq.s32 s5, $0x0;
	s5 =	sld [smem:$0x3FB3]  }
0x2b: {  	s6 =	sld [smem:$0x3FB4]  }
0x2c: {  	s7 =	sld [smem:$0x3FB5]  }
0x2d: {  	s3 =	simm.s32 $0x108;
	s8 =	sld [smem:$0x3FB6]  }
0x2e: {  	s3 =	simm.s32 @!p0 $0x1082;
	s9 =	sld [smem:$0x3FB7]  }
0x2f: {  	lr =	sadd.s32 s0, s3;
	s0 =	sld [smem:$0x3FAE]  }
0x30: {  	s3 =	sld [smem:$0x3FB1]  }
0x31: {  	[smem:$0x3FBA] =	sst s10  }
0x32: {  	s10 =	sld [smem:$0x3FB8];
	_ =	sdelay $0x3  }
0x33: {  	p0 =	seq.s32 s10, $0x1;
	s10 =	sld [smem:$0x3FBA];
	_ =	sdelay $0x3  }
0x34: {  	[smem:$0x3FBA] =	sst s10  }
0x35: {  	s10 =	sld [smem:$0x3FB9];
	_ =	sdelay $0x3  }
0x36: {  	p1 =	seq.s32 s10, $0x1;
	s10 =	sld [smem:$0x3FBA];
	_ =	sdelay $0x3  }
0x37: {  	[smem:$0x3FBA] =	sst s10  }
0x38: {  	s10 =	sld [smem:$0x3FBB]  }
0x39: {  	_ = 	snop;
	(pc) =	sbr.ind lr, $3  }
0x3a: {  	_ = 	snop  }
0x3b: {  	_ = 	snop  }
0x3c: {  	p2 =	seq.s32 s10, $0x1;
	s10 =	sld [smem:$0x3FBA]  }
0x3d: {  	_ =	shalt  }
0x3e: {  	_ =	shalt  }
0x3f: {  	_ =	shalt  }
0x40: {  	_ =	shalt  }
0x41: {  	_ =	shalt  }
0x42: {  	_ =	shalt  }
0x43: {  	_ =	shalt  }
0x44: {  	_ =	shalt  }
0x45: {  	_ =	shalt  }
0x46: {  	_ =	shalt  }
0x47: {  	_ =	shalt  }
0x48: {  	_ =	shalt  }
0x49: {  	_ =	shalt  }
0x4a: {  	_ =	shalt  }
0x4b: {  	_ =	shalt  }
0x4c: {  	_ =	shalt  }
0x4d: {  	_ =	shalt  }
0x4e: {  	_ =	shalt  }
0x4f: {  	_ =	shalt  }
0x50: {  	_ =	shalt  }
0x51: {  	_ =	shalt  }
0x52: {  	_ =	shalt  }
0x53: {  	_ =	shalt  }
0x54: {  	_ =	shalt  }
0x55: {  	_ =	shalt  }
0x56: {  	_ =	shalt  }
0x57: {  	_ =	shalt  }
0x58: {  	_ =	shalt  }
0x59: {  	_ =	shalt  }
0x5a: {  	_ =	shalt  }
0x5b: {  	_ =	shalt  }
0x5c: {  	_ =	shalt  }
0x5d: {  	_ =	shalt  }
0x5e: {  	_ =	shalt  }
0x5f: {  	_ =	shalt  }
0x60: {  	_ =	shalt  }
0x61: {  	_ =	shalt  }
0x62: {  	_ =	shalt  }
0x63: {  	_ =	shalt  }
0x64: {  	_ =	shalt  }
0x65: {  	_ =	shalt  }
0x66: {  	_ =	shalt  }
0x67: {  	_ =	shalt  }
0x68: {  	_ =	shalt  }
0x69: {  	_ =	shalt  }
0x6a: {  	_ =	shalt  }
0x6b: {  	_ =	shalt  }
0x6c: {  	_ =	shalt  }
0x6d: {  	_ =	shalt  }
0x6e: {  	_ =	shalt  }
0x6f: {  	_ =	shalt  }
0x70: {  	_ =	shalt  }
0x71: {  	_ =	shalt  }
0x72: {  	_ =	shalt  }
0x73: {  	_ =	shalt  }
0x74: {  	_ =	shalt  }
0x75: {  	_ =	shalt  }
0x76: {  	_ =	shalt  }
0x77: {  	_ =	shalt  }
0x78: {  	_ =	shalt  }
0x79: {  	_ =	shalt  }
0x7a: {  	_ =	shalt  }
0x7b: {  	_ =	shalt  }
0x7c: {  	_ =	shalt  }
0x7d: {  	_ =	shalt  }
0x7e: {  	_ =	shalt  }
0x7f: {  	_ =	shalt  }
0x80: {  	_ =	shalt  }
0x81: {  	_ =	shalt  }
0x82: {  	_ =	shalt  }
0x83: {  	_ =	shalt  }
0x84: {  	_ =	shalt  }
0x85: {  	_ =	shalt  }
0x86: {  	_ =	shalt  }
0x87: {  	_ =	shalt  }
.Lfunc_end0:
.L_simem_size_0:
called_computation_lowered:
.L_overlay_start_0:
0x88: {  	s2 =	sld [smem:$0x3FD9]  }
0x89: {  	s3 =	sld [smem:$0x3FFE];
	_ =	sdelay $0x1  }
0x8a: {  	s1 =	srdreg.scid  }
0x8b: {  	s0 =	sand.u32 $0x1, s1  }
0x8c: {  	s18 =	sshll.u32 s0, $0xA;
	s2 =	sadd.s32 s3, s2  }
0x8d: {  	s2 =	sadd.s32 s2, s18  }
0x8e: {  	[smem:$0x3FC6] =	sst s2  }
0x8f: {  	_ = 	snop  }
0x90: {  	s2 =	sld [smem:$0x3FC9]  }
0x91: {  	s19 =	sld [smem:$0x3FC8]  }
0x92: {  	s4 =	sld [smem:$0x3FD0];
	(tm) =	ssettm $0x1  }
0x93: {  	s5 =	sld [smem:$0x3FFB];
	_ =	sdelay $0x3  }
0x94: {  	_ =	strace s5  }
0x95: {  	s5 =	sld [smem:$0x3FFC];
	_ =	sdelay $0x3  }
0x96: {  	_ =	strace s5  }
0x97: {  	s5 =	sld [smem:$0x3FFD];
	_ =	sdelay $0x3  }
0x98: {  	_ =	strace s5  }
0x99: {  	_ =	strace $0x8FFFFFFF  }
0x9a: {  	s20 =	sld [smem:$0x3FDB];
	_ =	sdelay $0x1  }
0x9b: {  	s6 =	simm.s32 $_scs_section_size  }
0x9c: {  	s7 =	simm.s32 $_size__tile_overlayer_lowered;
	s8 =	simm.s32 $_tile_overlayer_lowered  }
0x9d: {  	s23 =	simm.s32 $0x1BFF;
	s22 =	sshll.u32 s8, $0x1;
	s5 =	sadd.s32 s6, s20  }
0x9e: {  	s9 =	simm.s32 $0x0;
	s21 =	sshll.u32 s7, $0x1;
	s7 =	sadd.s32 s22, s5  }
0x9f: {  	[timem:s9], [sflag:s23] =	dma.local [hbm:s7], s21  }
0xa0: {  	_ =	swait.ge [sflag:s23], s21  }
0xa1: {  	s6 =	ssub.s32 $0x0, s21;
	[sflag:s23] =	ssyncset.done $0x0  }
0xa2: {  	[sflag:s23] =	ssyncadd.s32 s6;
	_ =	sdelay $0x1  }
0xa3: {  	s24 =	simm.s32 $0x1B8B  }
0xa4: {  	_ =	swait.ge [sflag:s24], $0x1  }
0xa5: {  	[sflag:s24] =	ssyncset.done $0x0  }
0xa6: {  	s25 =	simm.s32 $0x1B8E;
	[sflag:s24] =	ssyncadd.s32 $0xFFFFFFFF  }
0xa7: {  	s26 =	simm.s32 $execute0_lowered;
	[smem:$0x3FD2] =	sst s25  }
0xa8: {  	s6 =	sshll.u32 s26, $0x1;
	_ =	strace $0x80000046;
	[dreg:$0x1] =	wrdreg $0xFFFFFFFF  }
0xa9: {  	s28 =	simm.s32 $_size_execute0_lowered;
	s5 =	sadd.s32 s5, s6;
	[dreg:$0x0] =	wrdreg $0x0  }
0xaa: {  	s6 =	sshll.u32 s28, $0x1;
	[dreg:$0x2] =	wrdreg s5  }
0xab: {  	[dreg:$0x3] =	wrdreg s6  }
0xac: {  	[dreg:$0x4] =	wrdreg $0xC0  }
0xad: {  	_ =	task [dreg:s9], $0x5FFFF  }
0xae: {  	[dreg:$0x1] =	wrdreg $0xFFFFFFFF  }
0xaf: {  	[dreg:$0x0] =	wrdreg $0x60  }
0xb0: {  	[dreg:$0x2] =	wrdreg s2  }
0xb1: {  	[dreg:$0x3] =	wrdreg s19  }
0xb2: {  	[dreg:$0x4] =	wrdreg s4  }
0xb3: {  	[dreg:$0x5] =	wrdreg $0x9  }
0xb4: {  	_ =	task.clear_ibuf [dreg:s9], $0x6FFFF;
	_ =	strace $0x90000046  }
0xb5: {  	s29 =	simm.s32 $0x9;
	_ =	strace $0x80000048  }
0xb6: {  	_ =	swait.ge [sflag:s29], $0x1  }
0xb7: {  	[sflag:s29] =	ssyncadd.s32 $0xFFFFFFFF  }
0xb8: {  	_ =	strace $0x90000048  }
0xb9: {  	_ =	sfence  }
0xba: {  	s30 =	sld [smem:$0x0];
	_ =	sdelay $0x2  }
0xbb: {  	s31 =	sshll.u32 s1, $0xD;
	s1 =	sshrl.u32 s1, $0x2  }
0xbc: {  	s3 =	sand.u32 $0x4000, s31;
	s1 =	sadd.s32 s1, s30  }
0xbd: {  	s0 =	sor.u32 s3, s0;
	s1 =	sshll.u32 s1, $0x11  }
0xbe: {  	s0 =	sor.u32 s1, s0  }
0xbf: {  	s0 =	sadd.s32 $0x8F2B, s0  }
0xc0: {  	[sflag:s0] =	ssyncadd.remote.s32 $0x1  }
0xc1: {  	_ =	sfence.sel $0xFFFF  }
0xc2: {  	[dreg:$0x0] =	wrdreg $0xFFFFFFFF;
	(pc) =	sbr.abs _section_cstart, $3  }
0xc3: {  	[dreg:$0x1] =	wrdreg $0xFFFFFFFF  }
0xc4: {  	_ =	task.clear_ibuf [dreg:s9], $0x2FFFF;
	_ =	strace $0x9FFFFFFF  }
0xc5: {  	(tm) =	ssettm $0x7FFFFFFF  }
tec
execute0_lowered:
.L_overlay_start_1:
0x0: {  	(tag) =	ssettag $0x1  }
0x1: {  	s0 =	rddreg [dreg:$0x0]  }
0x2: {  	s2 =	rddreg [dreg:$0x1]  }
0x3: {  	s1 =	rddreg [dreg:$0x2];
	s3 =	simm.s32 $0x0  }
0x4: {  	s7 =	stileid.u32;
	s4 =	srdreg.scid;
	s26 =	simm.s32 $0x80  }
0x5: {  	s13 =	simm.s32 $0x2;
	s16 =	simm.s32 $0x1100;
	s17 =	simm.s32 $0x1900  }
0x6: {  	s28 =	simm.s32 $0x7100;
	s29 =	simm.s32 $0x7900;
	s30 =	simm.s32 $0x8100  }
0x7: {  	s31 =	simm.s32 $0x8900;
	s12 =	simm.s32 $0xA900;
	[smem:$0x7FF] =	sst s3  }
0x8: {  	s5 =	sshll.u32 s7, $0x1;
	s4 =	sand.u32 $0x1, s4;
	s7 =	sshrl.u32 s7, $0x2  }
0x9: {  	_ =	strace $0x80000047;
	s5 =	sand.u32 $0x6, s5;
	s6 =	ssub.s32 $0x2, s4  }
0xa: {  	s9 =	sshll.u32 s7, $0x7;
	s7 =	smul.u32 $0x180000, s7;
	[dreg:$0x9] =	wrdreg s26  }
0xb: {  	s26 =	simm.s32 $0x6900;
	s4 =	sor.u32 s4, s5;
	s18 =	sshrl.u32 s6, $0x1  }
0xc: {  	s5 =	sadd.s32 $0x100, s2;
	s8 =	sshll.u32 s4, $0xA;
	s10 =	sshll.u32 s4, $0x8  }
0xd: {  	s4 =	smul.u32 $0x30000, s4;
	s23 =	ssub.s32 s6, s18;
	s6 =	sadd.s32 $0x200, s2  }
0xe: {  	s18 =	simm.s32 $0x2100;
	s8 =	sor.u32 s9, s8;
	s10 =	sor.u32 $0x80, s10  }
0xf: {  	s8 =	sshrl.u32 s8, $0x3;
	s11 =	sshll.u32 s10, $0x2;
	s10 =	sshrl.u32 s10, $0x3  }
0x10: {  	s4 =	sadd.s32 s7, s4;
	s8 =	sadd.s32 s0, s8;
	s9 =	sor.u32 s9, s11  }
0x11: {  	s10 =	smul.u32 $0x1800, s10;
	s4 =	sshrl.u32 s4, $0x3;
	s11 =	simm.s32 $0x1  }
0x12: {  	[dreg:$0x4] =	wrdreg s8;
	s19 =	sshrl.u32 s9, $0x3;
	s20 =	sadd.s32 s1, s4  }
0x13: {  	s8 =	simm.s32 $0xA100;
	s9 =	simm.s32 $0xB100;
	s0 =	sadd.s32 s0, s19  }
0x14: {  	s21 =	sadd.s32 s7, s10;
	s22 =	sadd.s32 $0x1800, s20;
	[dreg:$0xa] =	wrdreg s20  }
0x15: {  	s25 =	sadd.s32 $0x4800, s20;
	s7 =	smax.u32 s23, $0x1;
	s19 =	simm.s32 $0x2900  }
0x16: {  	s20 =	simm.s32 $0x3900;
	s23 =	simm.s32 $0x5100;
	[dreg:$0x5] =	wrdreg s0  }
0x17: {  	s10 =	simm.s32 $0xB900;
	s4 =	sshrl.u32 s21, $0x3;
	[dreg:$0x6] =	wrdreg s22  }
0x18: {  	v2 =	vlaneseq.u32;
	[dreg:$0x8] =	wrdreg s25;
	s21 =	simm.s32 $0x4100;
	s22 =	simm.s32 $0x4900  }
0x19: {  	vm0 =	vmmov $0xffff;
	v1 =	vshrl.u32 v2, $0x3;
	s25 =	simm.s32 $0x6100;
	s24 =	sadd.s32 s1, s4;
	s4 =	simm.s32 $0x3100  }
0x1a: {  	v0 =	vand.u32 $0x7, v2;
	v2 =	vor.u32 $0x8, v2;
	v1 =	vmul.u32 $0x8, v1;
	s1 =	simm.s32 $0xC100;
	[dreg:$0x7] =	wrdreg s24;
	s24 =	simm.s32 $0x5900  }
.LBB2_1:
0x1b: {  	s14 =	rddreg [dreg:$0x4];
	s0 =	simm.s32 $0x4  }
0x1c: {  	[tilespmem:s3], [sflag:$0x4] =	stream.linear.gather [hbm4b:s14+s3], $0x80, $0x38;
	[tilespmem:$0x18100] =	vst v63  }
0x1d: {  	_ =	swait.ge [sflag:s0], $0x80  }
0x1e: {  	s14 =	rddreg [dreg:$0x5];
	[sflag:s0] =	ssyncset.done $0x0  }
0x1f: {  	s15 =	rddreg [dreg:$0x9];
	[sflag:s0] =	ssyncadd.s32 $0xFFFFFF80  }
0x20: {  	[tilespmem:s15], [sflag:$0x3] =	stream.linear.gather [hbm4b:s14+s3], $0x80, $0x38;
	[tilespmem:$0x18100] =	vst v63  }
0x21: {  	v3 =	vld [tilespmem:$0x0];
	_ =	sdelay $0x4  }
0x22: {  	v4 =	vshrl.u32 v3, $0x3  }
0x23: {  	v4 =	vmul.u32 $0x30, v4  }
0x24: {  	v3 =	vand.u32 $0x7, v3  }
0x25: {  	v3 =	vor.u32 v3, v4  }
0x26: {  	v4 =	vperm.xlane v3, v0;
	_ =	sdelay $0x1  }
0x27: {  	v4 =	vadd.s32 v1, v4;
	_ =	sdelay $0x3  }
0x28: {  	s15 =	simm.s32 $0x100;
	v3 =	vperm.xlane v3, v2  }
0x29: {  	[tilespmem:s15], [sflag:$0x1] =	stream.indirect_vreg.gather [hbm4b:s2+s3], $0x80, v4, vm0, $0xb8;
	[tilespmem:$0x18100] =	vst v63  }
0x2a: {  	v3 =	vadd.s32 v1, v3;
	s15 =	simm.s32 $0x900  }
0x2b: {  	[tilespmem:s15], [sflag:$0x1] =	stream.indirect_vreg.gather [hbm4b:s5+s3], $0x80, v4, vm0, $0xb8;
	[tilespmem:$0x18100] =	vst v63  }
0x2c: {  	_ = 	snop  }
0x2d: {  	[tilespmem:s16], [sflag:$0x1] =	stream.indirect_vreg.gather [hbm4b:s6+s3], $0x80, v4, vm0, $0xb8;
	[tilespmem:$0x18100] =	vst v63  }
0x2e: {  	_ = 	snop  }
0x2f: {  	[tilespmem:s17], [sflag:$0x1] =	stream.indirect_vreg.gather [hbm4b:s2+s3], $0x80, v3, vm0, $0xb8;
	[tilespmem:$0x18100] =	vst v63  }
0x30: {  	_ = 	snop  }
0x31: {  	[tilespmem:s18], [sflag:$0x1] =	stream.indirect_vreg.gather [hbm4b:s5+s3], $0x80, v3, vm0, $0xb8;
	[tilespmem:$0x18100] =	vst v63  }
0x32: {  	_ = 	snop  }
0x33: {  	[tilespmem:s19], [sflag:$0x1] =	stream.indirect_vreg.gather [hbm4b:s6+s3], $0x80, v3, vm0, $0xb8;
	[tilespmem:$0x18100] =	vst v63  }
0x34: {  	v3 =	vld [tilespmem:$0x10];
	_ =	sdelay $0x4  }
0x35: {  	v49 =	vshrl.u32 v3, $0x3  }
0x36: {  	v4 =	vmul.u32 $0x30, v49  }
0x37: {  	v3 =	vand.u32 $0x7, v3  }
0x38: {  	v3 =	vor.u32 v3, v4  }
0x39: {  	v4 =	vperm.xlane v3, v0;
	_ =	sdelay $0x1  }
0x3a: {  	v4 =	vadd.s32 v1, v4;
	_ =	sdelay $0x3  }
0x3b: {  	v3 =	vperm.xlane v3, v2  }
0x3c: {  	[tilespmem:s4], [sflag:$0x1] =	stream.indirect_vreg.gather [hbm4b:s2+s3], $0x80, v4, vm0, $0xb8;
	[tilespmem:$0x18100] =	vst v63  }
0x3d: {  	v3 =	vadd.s32 v1, v3  }
0x3e: {  	[tilespmem:s20], [sflag:$0x1] =	stream.indirect_vreg.gather [hbm4b:s5+s3], $0x80, v4, vm0, $0xb8;
	[tilespmem:$0x18100] =	vst v63  }
0x3f: {  	_ = 	snop  }
0x40: {  	[tilespmem:s21], [sflag:$0x1] =	stream.indirect_vreg.gather [hbm4b:s6+s3], $0x80, v4, vm0, $0xb8;
	[tilespmem:$0x18100] =	vst v63  }
0x41: {  	_ = 	snop  }
0x42: {  	[tilespmem:s22], [sflag:$0x1] =	stream.indirect_vreg.gather [hbm4b:s2+s3], $0x80, v3, vm0, $0xb8;
	[tilespmem:$0x18100] =	vst v63  }
0x43: {  	_ = 	snop  }
0x44: {  	[tilespmem:s23], [sflag:$0x1] =	stream.indirect_vreg.gather [hbm4b:s5+s3], $0x80, v3, vm0, $0xb8;
	[tilespmem:$0x18100] =	vst v63  }
0x45: {  	_ = 	snop  }
0x46: {  	[tilespmem:s24], [sflag:$0x1] =	stream.indirect_vreg.gather [hbm4b:s6+s3], $0x80, v3, vm0, $0xb8;
	[tilespmem:$0x18100] =	vst v63  }
0x47: {  	v3 =	vld [tilespmem:$0x20];
	_ =	sdelay $0x4  }
0x48: {  	v50 =	vshrl.u32 v3, $0x3  }
0x49: {  	v4 =	vmul.u32 $0x30, v50  }
0x4a: {  	v3 =	vand.u32 $0x7, v3  }
0x4b: {  	v3 =	vor.u32 v3, v4  }
0x4c: {  	v4 =	vperm.xlane v3, v0;
	_ =	sdelay $0x1  }
0x4d: {  	v4 =	vadd.s32 v1, v4;
	_ =	sdelay $0x3  }
0x4e: {  	v3 =	vperm.xlane v3, v2  }
0x4f: {  	[tilespmem:s25], [sflag:$0x1] =	stream.indirect_vreg.gather [hbm4b:s2+s3], $0x80, v4, vm0, $0xb8;
	[tilespmem:$0x18100] =	vst v63  }
0x50: {  	v3 =	vadd.s32 v1, v3  }
0x51: {  	[tilespmem:s26], [sflag:$0x1] =	stream.indirect_vreg.gather [hbm4b:s5+s3], $0x80, v4, vm0, $0xb8;
	[tilespmem:$0x18100] =	vst v63  }
0x52: {  	_ = 	snop  }
0x53: {  	[tilespmem:s28], [sflag:$0x1] =	stream.indirect_vreg.gather [hbm4b:s6+s3], $0x80, v4, vm0, $0xb8;
	[tilespmem:$0x18100] =	vst v63  }
0x54: {  	_ = 	snop  }
0x55: {  	[tilespmem:s29], [sflag:$0x1] =	stream.indirect_vreg.gather [hbm4b:s2+s3], $0x80, v3, vm0, $0xb8;
	[tilespmem:$0x18100] =	vst v63  }
0x56: {  	_ = 	snop  }
0x57: {  	[tilespmem:s30], [sflag:$0x1] =	stream.indirect_vreg.gather [hbm4b:s5+s3], $0x80, v3, vm0, $0xb8;
	[tilespmem:$0x18100] =	vst v63  }
0x58: {  	_ = 	snop  }
0x59: {  	[tilespmem:s31], [sflag:$0x1] =	stream.indirect_vreg.gather [hbm4b:s6+s3], $0x80, v3, vm0, $0xb8;
	[tilespmem:$0x18100] =	vst v63  }
0x5a: {  	v3 =	vld [tilespmem:$0x30];
	_ =	sdelay $0x4  }
0x5b: {  	v51 =	vshrl.u32 v3, $0x3  }
0x5c: {  	v4 =	vmul.u32 $0x30, v51  }
0x5d: {  	v3 =	vand.u32 $0x7, v3  }
0x5e: {  	v3 =	vor.u32 v3, v4  }
0x5f: {  	v4 =	vperm.xlane v3, v0;
	_ =	sdelay $0x1  }
0x60: {  	v4 =	vadd.s32 v1, v4;
	_ =	sdelay $0x3  }
0x61: {  	s14 =	simm.s32 $0x9100;
	v3 =	vperm.xlane v3, v2  }
0x62: {  	[tilespmem:s14], [sflag:$0x1] =	stream.indirect_vreg.gather [hbm4b:s2+s3], $0x80, v4, vm0, $0xb8;
	[tilespmem:$0x18100] =	vst v63  }
0x63: {  	v3 =	vadd.s32 v1, v3;
	s14 =	simm.s32 $0x9900  }
0x64: {  	[tilespmem:s14], [sflag:$0x1] =	stream.indirect_vreg.gather [hbm4b:s5+s3], $0x80, v4, vm0, $0xb8;
	[tilespmem:$0x18100] =	vst v63  }
0x65: {  	_ = 	snop  }
0x66: {  	[tilespmem:s8], [sflag:$0x1] =	stream.indirect_vreg.gather [hbm4b:s6+s3], $0x80, v4, vm0, $0xb8;
	[tilespmem:$0x18100] =	vst v63  }
0x67: {  	_ = 	snop  }
0x68: {  	[tilespmem:s12], [sflag:$0x1] =	stream.indirect_vreg.gather [hbm4b:s2+s3], $0x80, v3, vm0, $0xb8;
	[tilespmem:$0x18100] =	vst v63  }
0x69: {  	_ = 	snop  }
0x6a: {  	[tilespmem:s9], [sflag:$0x1] =	stream.indirect_vreg.gather [hbm4b:s5+s3], $0x80, v3, vm0, $0xb8;
	[tilespmem:$0x18100] =	vst v63  }
0x6b: {  	_ = 	snop  }
0x6c: {  	[tilespmem:s10], [sflag:$0x1] =	stream.indirect_vreg.gather [hbm4b:s6+s3], $0x80, v3, vm0, $0xb8;
	[tilespmem:$0x18100] =	vst v63  }
0x6d: {  	v3 =	vld [tilespmem:$0x40];
	_ =	sdelay $0x4  }
0x6e: {  	v52 =	vshrl.u32 v3, $0x3  }
0x6f: {  	v4 =	vmul.u32 $0x30, v52  }
0x70: {  	v3 =	vand.u32 $0x7, v3  }
0x71: {  	v3 =	vor.u32 v3, v4  }
0x72: {  	v4 =	vperm.xlane v3, v0;
	_ =	sdelay $0x1  }
0x73: {  	v4 =	vadd.s32 v1, v4;
	_ =	sdelay $0x3  }
0x74: {  	v3 =	vperm.xlane v3, v2  }
0x75: {  	[tilespmem:s1], [sflag:$0x1] =	stream.indirect_vreg.gather [hbm4b:s2+s3], $0x80, v4, vm0, $0xb8;
	[tilespmem:$0x18100] =	vst v63  }
0x76: {  	s14 =	simm.s32 $0xC900;
	v3 =	vadd.s32 v1, v3  }
0x77: {  	[tilespmem:s14], [sflag:$0x1] =	stream.indirect_vreg.gather [hbm4b:s5+s3], $0x80, v4, vm0, $0xb8;
	[tilespmem:$0x18100] =	vst v63  }
0x78: {  	s14 =	simm.s32 $0xD100  }
0x79: {  	[tilespmem:s14], [sflag:$0x1] =	stream.indirect_vreg.gather [hbm4b:s6+s3], $0x80, v4, vm0, $0xb8;
	[tilespmem:$0x18100] =	vst v63  }
0x7a: {  	s14 =	simm.s32 $0xD900  }
0x7b: {  	[tilespmem:s14], [sflag:$0x1] =	stream.indirect_vreg.gather [hbm4b:s2+s3], $0x80, v3, vm0, $0xb8;
	[tilespmem:$0x18100] =	vst v63  }
0x7c: {  	s14 =	simm.s32 $0xE100  }
0x7d: {  	[tilespmem:s14], [sflag:$0x1] =	stream.indirect_vreg.gather [hbm4b:s5+s3], $0x80, v3, vm0, $0xb8;
	[tilespmem:$0x18100] =	vst v63  }
0x7e: {  	s14 =	simm.s32 $0xE900  }
0x7f: {  	[tilespmem:s14], [sflag:$0x1] =	stream.indirect_vreg.gather [hbm4b:s6+s3], $0x80, v3, vm0, $0xb8;
	[tilespmem:$0x18100] =	vst v63  }
0x80: {  	v3 =	vld [tilespmem:$0x50];
	_ =	sdelay $0x4  }
0x81: {  	v53 =	vshrl.u32 v3, $0x3  }
0x82: {  	v4 =	vmul.u32 $0x30, v53  }
0x83: {  	v3 =	vand.u32 $0x7, v3  }
0x84: {  	v3 =	vor.u32 v3, v4  }
0x85: {  	v4 =	vperm.xlane v3, v0;
	_ =	sdelay $0x1  }
0x86: {  	v4 =	vadd.s32 v1, v4;
	_ =	sdelay $0x3  }
0x87: {  	s14 =	simm.s32 $0xF100;
	v3 =	vperm.xlane v3, v2  }
0x88: {  	[tilespmem:s14], [sflag:$0x1] =	stream.indirect_vreg.gather [hbm4b:s2+s3], $0x80, v4, vm0, $0xb8;
	[tilespmem:$0x18100] =	vst v63  }
0x89: {  	v3 =	vadd.s32 v1, v3;
	s14 =	simm.s32 $0xF900  }
0x8a: {  	[tilespmem:s14], [sflag:$0x1] =	stream.indirect_vreg.gather [hbm4b:s5+s3], $0x80, v4, vm0, $0xb8;
	[tilespmem:$0x18100] =	vst v63  }
0x8b: {  	s14 =	simm.s32 $0x10100  }
0x8c: {  	[tilespmem:s14], [sflag:$0x1] =	stream.indirect_vreg.gather [hbm4b:s6+s3], $0x80, v4, vm0, $0xb8;
	[tilespmem:$0x18100] =	vst v63  }
0x8d: {  	s14 =	simm.s32 $0x10900  }
0x8e: {  	[tilespmem:s14], [sflag:$0x1] =	stream.indirect_vreg.gather [hbm4b:s2+s3], $0x80, v3, vm0, $0xb8;
	[tilespmem:$0x18100] =	vst v63  }
0x8f: {  	s14 =	simm.s32 $0x11100  }
0x90: {  	[tilespmem:s14], [sflag:$0x1] =	stream.indirect_vreg.gather [hbm4b:s5+s3], $0x80, v3, vm0, $0xb8;
	[tilespmem:$0x18100] =	vst v63  }
0x91: {  	s14 =	simm.s32 $0x11900  }
0x92: {  	[tilespmem:s14], [sflag:$0x1] =	stream.indirect_vreg.gather [hbm4b:s6+s3], $0x80, v3, vm0, $0xb8;
	[tilespmem:$0x18100] =	vst v63  }
0x93: {  	v3 =	vld [tilespmem:$0x60];
	_ =	sdelay $0x4  }
0x94: {  	v54 =	vshrl.u32 v3, $0x3  }
0x95: {  	v4 =	vmul.u32 $0x30, v54  }
0x96: {  	v3 =	vand.u32 $0x7, v3  }
0x97: {  	v3 =	vor.u32 v3, v4  }
0x98: {  	v4 =	vperm.xlane v3, v0;
	_ =	sdelay $0x1  }
0x99: {  	v4 =	vadd.s32 v1, v4;
	_ =	sdelay $0x3  }
0x9a: {  	s14 =	simm.s32 $0x12100;
	v3 =	vperm.xlane v3, v2  }
0x9b: {  	[tilespmem:s14], [sflag:$0x1] =	stream.indirect_vreg.gather [hbm4b:s2+s3], $0x80, v4, vm0, $0xb8;
	[tilespmem:$0x18100] =	vst v63  }
0x9c: {  	v3 =	vadd.s32 v1, v3;
	s14 =	simm.s32 $0x12900  }
0x9d: {  	[tilespmem:s14], [sflag:$0x1] =	stream.indirect_vreg.gather [hbm4b:s5+s3], $0x80, v4, vm0, $0xb8;
	[tilespmem:$0x18100] =	vst v63  }
0x9e: {  	s14 =	simm.s32 $0x13100  }
0x9f: {  	[tilespmem:s14], [sflag:$0x1] =	stream.indirect_vreg.gather [hbm4b:s6+s3], $0x80, v4, vm0, $0xb8;
	[tilespmem:$0x18100] =	vst v63  }
0xa0: {  	s14 =	simm.s32 $0x13900  }
0xa1: {  	[tilespmem:s14], [sflag:$0x1] =	stream.indirect_vreg.gather [hbm4b:s2+s3], $0x80, v3, vm0, $0xb8;
	[tilespmem:$0x18100] =	vst v63  }
0xa2: {  	s14 =	simm.s32 $0x14100  }
0xa3: {  	[tilespmem:s14], [sflag:$0x1] =	stream.indirect_vreg.gather [hbm4b:s5+s3], $0x80, v3, vm0, $0xb8;
	[tilespmem:$0x18100] =	vst v63  }
0xa4: {  	s14 =	simm.s32 $0x14900  }
0xa5: {  	[tilespmem:s14], [sflag:$0x1] =	stream.indirect_vreg.gather [hbm4b:s6+s3], $0x80, v3, vm0, $0xb8;
	[tilespmem:$0x18100] =	vst v63  }
0xa6: {  	v3 =	vld [tilespmem:$0x70];
	_ =	sdelay $0x4  }
0xa7: {  	v55 =	vshrl.u32 v3, $0x3  }
0xa8: {  	v4 =	vmul.u32 $0x30, v55  }
0xa9: {  	v3 =	vand.u32 $0x7, v3  }
0xaa: {  	v3 =	vor.u32 v3, v4  }
0xab: {  	v4 =	vperm.xlane v3, v0;
	_ =	sdelay $0x1  }
0xac: {  	v4 =	vadd.s32 v1, v4;
	_ =	sdelay $0x3  }
0xad: {  	s14 =	simm.s32 $0x15100;
	v3 =	vperm.xlane v3, v2  }
0xae: {  	[tilespmem:s14], [sflag:$0x1] =	stream.indirect_vreg.gather [hbm4b:s2+s3], $0x80, v4, vm0, $0xb8;
	[tilespmem:$0x18100] =	vst v63  }
0xaf: {  	v3 =	vadd.s32 v1, v3;
	s14 =	simm.s32 $0x15900  }
0xb0: {  	[tilespmem:s14], [sflag:$0x1] =	stream.indirect_vreg.gather [hbm4b:s5+s3], $0x80, v4, vm0, $0xb8;
	[tilespmem:$0x18100] =	vst v63  }
0xb1: {  	s14 =	simm.s32 $0x16100  }
0xb2: {  	[tilespmem:s14], [sflag:$0x1] =	stream.indirect_vreg.gather [hbm4b:s6+s3], $0x80, v4, vm0, $0xb8;
	[tilespmem:$0x18100] =	vst v63  }
0xb3: {  	s14 =	simm.s32 $0x16900  }
0xb4: {  	[tilespmem:s14], [sflag:$0x1] =	stream.indirect_vreg.gather [hbm4b:s2+s3], $0x80, v3, vm0, $0xb8;
	[tilespmem:$0x18100] =	vst v63  }
0xb5: {  	s14 =	simm.s32 $0x17100  }
0xb6: {  	[tilespmem:s14], [sflag:$0x1] =	stream.indirect_vreg.gather [hbm4b:s5+s3], $0x80, v3, vm0, $0xb8;
	[tilespmem:$0x18100] =	vst v63  }
0xb7: {  	s14 =	simm.s32 $0x17900  }
0xb8: {  	[tilespmem:s14], [sflag:$0x1] =	stream.indirect_vreg.gather [hbm4b:s6+s3], $0x80, v3, vm0, $0xb8;
	[tilespmem:$0x18100] =	vst v63  }
0xb9: {  	_ =	swait.ge [sflag:s11], $0xC000  }
0xba: {  	[sflag:s11] =	ssyncset.done $0x0  }
0xbb: {  	s0 =	simm.s32 $0x100;
	s14 =	rddreg [dreg:$0xa];
	[sflag:s11] =	ssyncadd.s32 $0xFFFF4000  }
0xbc: {  	[hbm4b:s14+s3] =	stream.linear.scatter [tilespmem:s0], [sflag:$0x2], $0xC000, $0x38;
	[tilespmem:$0x18100] =	vst v63  }
0xbd: {  	s14 =	simm.s32 $0x3  }
0xbe: {  	_ =	swait.ge [sflag:s14], $0x80  }
0xbf: {  	[sflag:s14] =	ssyncset.done $0x0  }
0xc0: {  	[sflag:s14] =	ssyncadd.s32 $0xFFFFFF80  }
0xc1: {  	_ =	swait.ge [sflag:s13], $0xC000  }
0xc2: {  	[sflag:s13] =	ssyncset.done $0x0  }
0xc3: {  	[sflag:s13] =	ssyncadd.s32 $0xFFFF4000  }
0xc4: {  	v3 =	vld [tilespmem:$0x80];
	_ =	sdelay $0x4  }
0xc5: {  	v56 =	vshrl.u32 v3, $0x3  }
0xc6: {  	v4 =	vmul.u32 $0x30, v56  }
0xc7: {  	v3 =	vand.u32 $0x7, v3  }
0xc8: {  	v3 =	vor.u32 v3, v4  }
0xc9: {  	v4 =	vperm.xlane v3, v0;
	_ =	sdelay $0x1  }
0xca: {  	v4 =	vadd.s32 v1, v4;
	_ =	sdelay $0x3  }
0xcb: {  	v3 =	vperm.xlane v3, v2  }
0xcc: {  	[tilespmem:s0], [sflag:$0x1] =	stream.indirect_vreg.gather [hbm4b:s2+s3], $0x80, v4, vm0, $0xb8;
	[tilespmem:$0x18100] =	vst v63  }
0xcd: {  	v3 =	vadd.s32 v1, v3  }
0xce: {  	[tilespmem:s15], [sflag:$0x1] =	stream.indirect_vreg.gather [hbm4b:s5+s3], $0x80, v4, vm0, $0xb8;
	[tilespmem:$0x18100] =	vst v63  }
0xcf: {  	_ = 	snop  }
0xd0: {  	[tilespmem:s16], [sflag:$0x1] =	stream.indirect_vreg.gather [hbm4b:s6+s3], $0x80, v4, vm0, $0xb8;
	[tilespmem:$0x18100] =	vst v63  }
0xd1: {  	_ = 	snop  }
0xd2: {  	[tilespmem:s17], [sflag:$0x1] =	stream.indirect_vreg.gather [hbm4b:s2+s3], $0x80, v3, vm0, $0xb8;
	[tilespmem:$0x18100] =	vst v63  }
0xd3: {  	_ = 	snop  }
0xd4: {  	[tilespmem:s18], [sflag:$0x1] =	stream.indirect_vreg.gather [hbm4b:s5+s3], $0x80, v3, vm0, $0xb8;
	[tilespmem:$0x18100] =	vst v63  }
0xd5: {  	_ = 	snop  }
0xd6: {  	[tilespmem:s19], [sflag:$0x1] =	stream.indirect_vreg.gather [hbm4b:s6+s3], $0x80, v3, vm0, $0xb8;
	[tilespmem:$0x18100] =	vst v63  }
0xd7: {  	v3 =	vld [tilespmem:$0x90];
	_ =	sdelay $0x4  }
0xd8: {  	v57 =	vshrl.u32 v3, $0x3  }
0xd9: {  	v4 =	vmul.u32 $0x30, v57  }
0xda: {  	v3 =	vand.u32 $0x7, v3  }
0xdb: {  	v3 =	vor.u32 v3, v4  }
0xdc: {  	v4 =	vperm.xlane v3, v0;
	_ =	sdelay $0x1  }
0xdd: {  	v4 =	vadd.s32 v1, v4;
	_ =	sdelay $0x3  }
0xde: {  	v3 =	vperm.xlane v3, v2  }
0xdf: {  	[tilespmem:s4], [sflag:$0x1] =	stream.indirect_vreg.gather [hbm4b:s2+s3], $0x80, v4, vm0, $0xb8;
	[tilespmem:$0x18100] =	vst v63  }
0xe0: {  	v3 =	vadd.s32 v1, v3  }
0xe1: {  	[tilespmem:s20], [sflag:$0x1] =	stream.indirect_vreg.gather [hbm4b:s5+s3], $0x80, v4, vm0, $0xb8;
	[tilespmem:$0x18100] =	vst v63  }
0xe2: {  	_ = 	snop  }
0xe3: {  	[tilespmem:s21], [sflag:$0x1] =	stream.indirect_vreg.gather [hbm4b:s6+s3], $0x80, v4, vm0, $0xb8;
	[tilespmem:$0x18100] =	vst v63  }
0xe4: {  	_ = 	snop  }
0xe5: {  	[tilespmem:s22], [sflag:$0x1] =	stream.indirect_vreg.gather [hbm4b:s2+s3], $0x80, v3, vm0, $0xb8;
	[tilespmem:$0x18100] =	vst v63  }
0xe6: {  	_ = 	snop  }
0xe7: {  	[tilespmem:s23], [sflag:$0x1] =	stream.indirect_vreg.gather [hbm4b:s5+s3], $0x80, v3, vm0, $0xb8;
	[tilespmem:$0x18100] =	vst v63  }
0xe8: {  	_ = 	snop  }
0xe9: {  	[tilespmem:s24], [sflag:$0x1] =	stream.indirect_vreg.gather [hbm4b:s6+s3], $0x80, v3, vm0, $0xb8;
	[tilespmem:$0x18100] =	vst v63  }
0xea: {  	v3 =	vld [tilespmem:$0xA0];
	_ =	sdelay $0x4  }
0xeb: {  	v58 =	vshrl.u32 v3, $0x3  }
0xec: {  	v4 =	vmul.u32 $0x30, v58  }
0xed: {  	v3 =	vand.u32 $0x7, v3  }
0xee: {  	v3 =	vor.u32 v3, v4  }
0xef: {  	v4 =	vperm.xlane v3, v0;
	_ =	sdelay $0x1  }
0xf0: {  	v4 =	vadd.s32 v1, v4;
	_ =	sdelay $0x3  }
0xf1: {  	v3 =	vperm.xlane v3, v2  }
0xf2: {  	[tilespmem:s25], [sflag:$0x1] =	stream.indirect_vreg.gather [hbm4b:s2+s3], $0x80, v4, vm0, $0xb8;
	[tilespmem:$0x18100] =	vst v63  }
0xf3: {  	v3 =	vadd.s32 v1, v3  }
0xf4: {  	[tilespmem:s26], [sflag:$0x1] =	stream.indirect_vreg.gather [hbm4b:s5+s3], $0x80, v4, vm0, $0xb8;
	[tilespmem:$0x18100] =	vst v63  }
0xf5: {  	_ = 	snop  }
0xf6: {  	[tilespmem:s28], [sflag:$0x1] =	stream.indirect_vreg.gather [hbm4b:s6+s3], $0x80, v4, vm0, $0xb8;
	[tilespmem:$0x18100] =	vst v63  }
0xf7: {  	_ = 	snop  }
0xf8: {  	[tilespmem:s29], [sflag:$0x1] =	stream.indirect_vreg.gather [hbm4b:s2+s3], $0x80, v3, vm0, $0xb8;
	[tilespmem:$0x18100] =	vst v63  }
0xf9: {  	_ = 	snop  }
0xfa: {  	[tilespmem:s30], [sflag:$0x1] =	stream.indirect_vreg.gather [hbm4b:s5+s3], $0x80, v3, vm0, $0xb8;
	[tilespmem:$0x18100] =	vst v63  }
0xfb: {  	_ = 	snop  }
0xfc: {  	[tilespmem:s31], [sflag:$0x1] =	stream.indirect_vreg.gather [hbm4b:s6+s3], $0x80, v3, vm0, $0xb8;
	[tilespmem:$0x18100] =	vst v63  }
0xfd: {  	v3 =	vld [tilespmem:$0xB0];
	_ =	sdelay $0x4  }
0xfe: {  	v59 =	vshrl.u32 v3, $0x3  }
0xff: {  	v4 =	vmul.u32 $0x30, v59  }
0x100: {  	v3 =	vand.u32 $0x7, v3  }
0x101: {  	v3 =	vor.u32 v3, v4  }
0x102: {  	v4 =	vperm.xlane v3, v0;
	_ =	sdelay $0x1  }
0x103: {  	v4 =	vadd.s32 v1, v4;
	_ =	sdelay $0x3  }
0x104: {  	s14 =	simm.s32 $0x9100;
	v3 =	vperm.xlane v3, v2  }
0x105: {  	[tilespmem:s14], [sflag:$0x1] =	stream.indirect_vreg.gather [hbm4b:s2+s3], $0x80, v4, vm0, $0xb8;
	[tilespmem:$0x18100] =	vst v63  }
0x106: {  	s15 =	simm.s32 $0x9900;
	v3 =	vadd.s32 v1, v3  }
0x107: {  	[tilespmem:s15], [sflag:$0x1] =	stream.indirect_vreg.gather [hbm4b:s5+s3], $0x80, v4, vm0, $0xb8;
	[tilespmem:$0x18100] =	vst v63  }
0x108: {  	_ = 	snop  }
0x109: {  	[tilespmem:s8], [sflag:$0x1] =	stream.indirect_vreg.gather [hbm4b:s6+s3], $0x80, v4, vm0, $0xb8;
	[tilespmem:$0x18100] =	vst v63  }
0x10a: {  	_ = 	snop  }
0x10b: {  	[tilespmem:s12], [sflag:$0x1] =	stream.indirect_vreg.gather [hbm4b:s2+s3], $0x80, v3, vm0, $0xb8;
	[tilespmem:$0x18100] =	vst v63  }
0x10c: {  	_ = 	snop  }
0x10d: {  	[tilespmem:s9], [sflag:$0x1] =	stream.indirect_vreg.gather [hbm4b:s5+s3], $0x80, v3, vm0, $0xb8;
	[tilespmem:$0x18100] =	vst v63  }
0x10e: {  	_ = 	snop  }
0x10f: {  	[tilespmem:s10], [sflag:$0x1] =	stream.indirect_vreg.gather [hbm4b:s6+s3], $0x80, v3, vm0, $0xb8;
	[tilespmem:$0x18100] =	vst v63  }
0x110: {  	_ =	swait.ge [sflag:s11], $0xC000  }
0x111: {  	[sflag:s11] =	ssyncset.done $0x0  }
0x112: {  	s0 =	rddreg [dreg:$0x6];
	[sflag:s11] =	ssyncadd.s32 $0xFFFF4000  }
0x113: {  	[hbm4b:s0+s3] =	stream.linear.scatter [tilespmem:s1], [sflag:$0x2], $0xC000, $0x38;
	[tilespmem:$0x18100] =	vst v63  }
0x114: {  	_ =	swait.ge [sflag:s13], $0xC000  }
0x115: {  	[sflag:s13] =	ssyncset.done $0x0  }
0x116: {  	[sflag:s13] =	ssyncadd.s32 $0xFFFF4000  }
0x117: {  	v3 =	vld [tilespmem:$0xC0];
	_ =	sdelay $0x4  }
0x118: {  	v60 =	vshrl.u32 v3, $0x3  }
0x119: {  	v4 =	vmul.u32 $0x30, v60  }
0x11a: {  	v3 =	vand.u32 $0x7, v3  }
0x11b: {  	v3 =	vor.u32 v3, v4  }
0x11c: {  	v4 =	vperm.xlane v3, v0;
	_ =	sdelay $0x1  }
0x11d: {  	v4 =	vadd.s32 v1, v4;
	_ =	sdelay $0x3  }
0x11e: {  	v3 =	vperm.xlane v3, v2  }
0x11f: {  	[tilespmem:s1], [sflag:$0x1] =	stream.indirect_vreg.gather [hbm4b:s2+s3], $0x80, v4, vm0, $0xb8;
	[tilespmem:$0x18100] =	vst v63  }
0x120: {  	s15 =	simm.s32 $0xC900;
	v3 =	vadd.s32 v1, v3  }
0x121: {  	[tilespmem:s15], [sflag:$0x1] =	stream.indirect_vreg.gather [hbm4b:s5+s3], $0x80, v4, vm0, $0xb8;
	[tilespmem:$0x18100] =	vst v63  }
0x122: {  	s14 =	simm.s32 $0xD100  }
0x123: {  	[tilespmem:s14], [sflag:$0x1] =	stream.indirect_vreg.gather [hbm4b:s6+s3], $0x80, v4, vm0, $0xb8;
	[tilespmem:$0x18100] =	vst v63  }
0x124: {  	s15 =	simm.s32 $0xD900  }
0x125: {  	[tilespmem:s15], [sflag:$0x1] =	stream.indirect_vreg.gather [hbm4b:s2+s3], $0x80, v3, vm0, $0xb8;
	[tilespmem:$0x18100] =	vst v63  }
0x126: {  	s14 =	simm.s32 $0xE100  }
0x127: {  	[tilespmem:s14], [sflag:$0x1] =	stream.indirect_vreg.gather [hbm4b:s5+s3], $0x80, v3, vm0, $0xb8;
	[tilespmem:$0x18100] =	vst v63  }
0x128: {  	s15 =	simm.s32 $0xE900  }
0x129: {  	[tilespmem:s15], [sflag:$0x1] =	stream.indirect_vreg.gather [hbm4b:s6+s3], $0x80, v3, vm0, $0xb8;
	[tilespmem:$0x18100] =	vst v63  }
0x12a: {  	v3 =	vld [tilespmem:$0xD0];
	_ =	sdelay $0x4  }
0x12b: {  	v61 =	vshrl.u32 v3, $0x3  }
0x12c: {  	v4 =	vmul.u32 $0x30, v61  }
0x12d: {  	v3 =	vand.u32 $0x7, v3  }
0x12e: {  	v3 =	vor.u32 v3, v4  }
0x12f: {  	v4 =	vperm.xlane v3, v0;
	_ =	sdelay $0x1  }
0x130: {  	v4 =	vadd.s32 v1, v4;
	_ =	sdelay $0x3  }
0x131: {  	s14 =	simm.s32 $0xF100;
	v3 =	vperm.xlane v3, v2  }
0x132: {  	[tilespmem:s14], [sflag:$0x1] =	stream.indirect_vreg.gather [hbm4b:s2+s3], $0x80, v4, vm0, $0xb8;
	[tilespmem:$0x18100] =	vst v63  }
0x133: {  	s15 =	simm.s32 $0xF900;
	v3 =	vadd.s32 v1, v3  }
0x134: {  	[tilespmem:s15], [sflag:$0x1] =	stream.indirect_vreg.gather [hbm4b:s5+s3], $0x80, v4, vm0, $0xb8;
	[tilespmem:$0x18100] =	vst v63  }
0x135: {  	s14 =	simm.s32 $0x10100  }
0x136: {  	[tilespmem:s14], [sflag:$0x1] =	stream.indirect_vreg.gather [hbm4b:s6+s3], $0x80, v4, vm0, $0xb8;
	[tilespmem:$0x18100] =	vst v63  }
0x137: {  	s15 =	simm.s32 $0x10900  }
0x138: {  	[tilespmem:s15], [sflag:$0x1] =	stream.indirect_vreg.gather [hbm4b:s2+s3], $0x80, v3, vm0, $0xb8;
	[tilespmem:$0x18100] =	vst v63  }
0x139: {  	s14 =	simm.s32 $0x11100  }
0x13a: {  	[tilespmem:s14], [sflag:$0x1] =	stream.indirect_vreg.gather [hbm4b:s5+s3], $0x80, v3, vm0, $0xb8;
	[tilespmem:$0x18100] =	vst v63  }
0x13b: {  	s15 =	simm.s32 $0x11900  }
0x13c: {  	[tilespmem:s15], [sflag:$0x1] =	stream.indirect_vreg.gather [hbm4b:s6+s3], $0x80, v3, vm0, $0xb8;
	[tilespmem:$0x18100] =	vst v63  }
0x13d: {  	v3 =	vld [tilespmem:$0xE0];
	_ =	sdelay $0x4  }
0x13e: {  	v62 =	vshrl.u32 v3, $0x3  }
0x13f: {  	v4 =	vmul.u32 $0x30, v62  }
0x140: {  	v3 =	vand.u32 $0x7, v3  }
0x141: {  	v3 =	vor.u32 v3, v4  }
0x142: {  	v4 =	vperm.xlane v3, v0;
	_ =	sdelay $0x1  }
0x143: {  	v4 =	vadd.s32 v1, v4;
	_ =	sdelay $0x3  }
0x144: {  	s14 =	simm.s32 $0x12100;
	v3 =	vperm.xlane v3, v2  }
0x145: {  	[tilespmem:s14], [sflag:$0x1] =	stream.indirect_vreg.gather [hbm4b:s2+s3], $0x80, v4, vm0, $0xb8;
	[tilespmem:$0x18100] =	vst v63  }
0x146: {  	s15 =	simm.s32 $0x12900;
	v3 =	vadd.s32 v1, v3  }
0x147: {  	[tilespmem:s15], [sflag:$0x1] =	stream.indirect_vreg.gather [hbm4b:s5+s3], $0x80, v4, vm0, $0xb8;
	[tilespmem:$0x18100] =	vst v63  }
0x148: {  	s14 =	simm.s32 $0x13100  }
0x149: {  	[tilespmem:s14], [sflag:$0x1] =	stream.indirect_vreg.gather [hbm4b:s6+s3], $0x80, v4, vm0, $0xb8;
	[tilespmem:$0x18100] =	vst v63  }
0x14a: {  	s15 =	simm.s32 $0x13900  }
0x14b: {  	[tilespmem:s15], [sflag:$0x1] =	stream.indirect_vreg.gather [hbm4b:s2+s3], $0x80, v3, vm0, $0xb8;
	[tilespmem:$0x18100] =	vst v63  }
0x14c: {  	s14 =	simm.s32 $0x14100  }
0x14d: {  	[tilespmem:s14], [sflag:$0x1] =	stream.indirect_vreg.gather [hbm4b:s5+s3], $0x80, v3, vm0, $0xb8;
	[tilespmem:$0x18100] =	vst v63  }
0x14e: {  	s15 =	simm.s32 $0x14900  }
0x14f: {  	[tilespmem:s15], [sflag:$0x1] =	stream.indirect_vreg.gather [hbm4b:s6+s3], $0x80, v3, vm0, $0xb8;
	[tilespmem:$0x18100] =	vst v63  }
0x150: {  	v3 =	vld [tilespmem:$0xF0];
	_ =	sdelay $0x4  }
0x151: {  	v63 =	vshrl.u32 v3, $0x3  }
0x152: {  	v4 =	vmul.u32 $0x30, v63  }
0x153: {  	v3 =	vand.u32 $0x7, v3  }
0x154: {  	v3 =	vor.u32 v3, v4  }
0x155: {  	v4 =	vperm.xlane v3, v0;
	_ =	sdelay $0x1  }
0x156: {  	v4 =	vadd.s32 v1, v4;
	_ =	sdelay $0x3  }
0x157: {  	s14 =	simm.s32 $0x15100;
	v3 =	vperm.xlane v3, v2  }
0x158: {  	[tilespmem:s14], [sflag:$0x1] =	stream.indirect_vreg.gather [hbm4b:s2+s3], $0x80, v4, vm0, $0xb8;
	[tilespmem:$0x18100] =	vst v63  }
0x159: {  	s15 =	simm.s32 $0x15900;
	v3 =	vadd.s32 v1, v3  }
0x15a: {  	[tilespmem:s15], [sflag:$0x1] =	stream.indirect_vreg.gather [hbm4b:s5+s3], $0x80, v4, vm0, $0xb8;
	[tilespmem:$0x18100] =	vst v63  }
0x15b: {  	s14 =	simm.s32 $0x16100  }
0x15c: {  	[tilespmem:s14], [sflag:$0x1] =	stream.indirect_vreg.gather [hbm4b:s6+s3], $0x80, v4, vm0, $0xb8;
	[tilespmem:$0x18100] =	vst v63  }
0x15d: {  	s15 =	simm.s32 $0x16900  }
0x15e: {  	[tilespmem:s15], [sflag:$0x1] =	stream.indirect_vreg.gather [hbm4b:s2+s3], $0x80, v3, vm0, $0xb8;
	[tilespmem:$0x18100] =	vst v63  }
0x15f: {  	s14 =	simm.s32 $0x17100  }
0x160: {  	[tilespmem:s14], [sflag:$0x1] =	stream.indirect_vreg.gather [hbm4b:s5+s3], $0x80, v3, vm0, $0xb8;
	[tilespmem:$0x18100] =	vst v63  }
0x161: {  	s15 =	simm.s32 $0x17900  }
0x162: {  	[tilespmem:s15], [sflag:$0x1] =	stream.indirect_vreg.gather [hbm4b:s6+s3], $0x80, v3, vm0, $0xb8;
	[tilespmem:$0x18100] =	vst v63  }
0x163: {  	_ =	swait.ge [sflag:s11], $0xC000  }
0x164: {  	[sflag:s11] =	ssyncset.done $0x0  }
0x165: {  	s15 =	simm.s32 $0x100;
	s0 =	rddreg [dreg:$0x7];
	[sflag:s11] =	ssyncadd.s32 $0xFFFF4000  }
0x166: {  	[hbm4b:s0+s3] =	stream.linear.scatter [tilespmem:s15], [sflag:$0x2], $0xC000, $0x38;
	[tilespmem:$0x18100] =	vst v63  }
0x167: {  	_ =	swait.ge [sflag:s11], $0xC000  }
0x168: {  	[sflag:s11] =	ssyncset.done $0x0  }
0x169: {  	s15 =	rddreg [dreg:$0x8];
	[sflag:s11] =	ssyncadd.s32 $0xFFFF4000  }
0x16a: {  	[hbm4b:s15+s3] =	stream.linear.scatter [tilespmem:s1], [sflag:$0x2], $0xC000, $0x38;
	[tilespmem:$0x18100] =	vst v63  }
0x16b: {  	p0 =	sne.s32 s7, $0x1;
	_ =	swait.ge [sflag:s13], $0xC000  }
.Ltmp0:
0x16c: {  	[sflag:s13] =	ssyncset.done $0x0;
	(pc) =	sbr.rel @p0 .LBB2_1-.Ltmp0, $4  }
0x16d: {  	[sflag:s13] =	ssyncadd.s32 $0xFFFF4000  }
0x16e: {  	_ =	swait.ge [sflag:s13], $0xC000  }
0x16f: {  	[sflag:s13] =	ssyncset.done $0x0  }
0x170: {  	s7 =	sadd.s32 $0xFFFFFFFF, s7;
	[sflag:s13] =	ssyncadd.s32 $0xFFFF4000  }
0x171: {  	_ =	sfence.sel $0x180000  }
0x172: {  	[bflag:$0x0] =	sbarrier.arrive $0xFFFF  }
0x173: {  	_ =	strace $0x90000047  }
0x174: {  	s0 =	stileid.u32;
	[bflag:$0x2] =	sbarrier.arrive $0xFFFF  }
0x175: {  	p0 =	sne.s32 s0, $0x0;
	s0 =	rddreg [dreg:$0x3]  }
0x176: {  	s0 =	sadd.s32 @!p0 $0x100000, s0  }
0x177: {  	[sflag:s0] =	ssyncadd.tile.s32 @!p0 $0x1;
	_ =	shalt  }
.Lfunc_end2:
_tile_overlayer_lowered:
.L_overlay_start_2:
0x178: {  	(tag) =	ssettag $0x2  }
0x179: {  	s0 =	rddreg [dreg:$0x0];
	s2 =	stileid.u32  }
0x17a: {  	s1 =	rddreg [dreg:$0x1];
	p0 =	sne.s32 s2, $0x0  }
0x17b: {  	s3 =	rddreg [dreg:$0x2];
	[bflag:$0x3] =	sbarrier.arrive $0xFFFF;
	s2 =	simm.s32 @!p0 $0x1C04  }
0x17c: {  	[timem:s3], [sflag:s2] =	dma.local @!p0 [hbm:s0], s1  }
0x17d: {  	s0 =	simm.s32 @!p0 $0x4  }
0x17e: {  	_ =	swait.ge @!p0 [sflag:s0], s1  }
0x17f: {  	s1 =	ssub.s32 @!p0 $0x0, s1;
	[sflag:s0] =	ssyncset.done @!p0 $0x0  }
0x180: {  	[sflag:s0] =	ssyncadd.s32 @!p0 s1  }
0x181: {  	[bflag:$0x3] =	sbarrier.arrive $0xFFFF  }
0x182: {  	_ =	shalt  }

</sc_bundles>
